<compile_context>
chip_gen: v7x
topology: tpu7x:2x2x1
jax: 0.10.2.dev20260603
libtpu: 0.0.44.dev20260713+nightly
codegen_flags: <defaults>
</compile_context>

<pallas_src>
import functools

import jax
import jax.numpy as jnp
from jax import lax
from jax.experimental import pallas as pl
from jax.experimental.pallas import tpu as pltpu
from jax.experimental.pallas import tpu_sc as plsc

N = 10000
D = 128
H = 64
R = 3
E = 320000
ROWS = R * N
SPARE = 232
ACC_ROWS = N + SPARE
EW = E // 32
NC = 2
NS = 16
NW = NC * NS
CHUNK = 128
CHUNKS = 80
E_PS = CHUNKS * CHUNK
E_PAD = NW * E_PS
ROWS2D = E_PAD // CHUNK
RPW = 632
RPW_LAST = N - 15 * RPW
BN = 400
BR = 512
NBUF = 8


def _relu(x):
    return jnp.maximum(x, 0.0)



def _tables_body(x_ref, w1_ref, b1_ref, w2_ref, b2_ref, w3_ref, b3_ref,
                 wp_ref, t_ref):
    x = x_ref[...]
    for i in range(R):
        h = _relu(jnp.dot(x, w1_ref[i], preferred_element_type=jnp.float32)
                  + b1_ref[i])
        h = _relu(jnp.dot(h, w2_ref[i], preferred_element_type=jnp.float32)
                  + b2_ref[i])
        y = _relu(jnp.dot(h, w3_ref[i], preferred_element_type=jnp.float32)
                  + b3_ref[i])
        t_ref[i] = jnp.dot(y, wp_ref[i], preferred_element_type=jnp.float32)


def _run_tables(x, rel_params, w1r):
    w1s = jnp.stack([p['W1'] for p in rel_params])
    b1s = jnp.stack([p['b1'] for p in rel_params])[:, None]
    w2s = jnp.stack([p['W2'] for p in rel_params])
    b2s = jnp.stack([p['b2'] for p in rel_params])[:, None]
    w3s = jnp.stack([p['W3'] for p in rel_params])
    b3s = jnp.stack([p['b3'] for p in rel_params])[:, None]
    grid = (N // BN,)
    return pl.pallas_call(
        _tables_body,
        grid=grid,
        in_specs=[
            pl.BlockSpec((BN, D), lambda n: (n, 0)),
            pl.BlockSpec((R, D, H), lambda n: (0, 0, 0)),
            pl.BlockSpec((R, 1, H), lambda n: (0, 0, 0)),
            pl.BlockSpec((R, H, H), lambda n: (0, 0, 0)),
            pl.BlockSpec((R, 1, H), lambda n: (0, 0, 0)),
            pl.BlockSpec((R, H, D), lambda n: (0, 0, 0)),
            pl.BlockSpec((R, 1, D), lambda n: (0, 0, 0)),
            pl.BlockSpec((R, D, H), lambda n: (0, 0, 0)),
        ],
        out_specs=pl.BlockSpec((R, BN, H), lambda n: (0, n, 0)),
        out_shape=jax.ShapeDtypeStruct((R, N, H), jnp.float32),
    )(x, w1s, b1s, w2s, b2s, w3s, b3s, w1r)



def _index_body(src_ref, dst_ref, et_ref, ii_ref, oi_ref):
    pid = pl.program_id(0)
    src = src_ref[...]
    dst = dst_ref[...]
    et = et_ref[...]
    rows = lax.broadcasted_iota(jnp.int32, src.shape, 0) + pid * BR
    cols = lax.broadcasted_iota(jnp.int32, src.shape, 1)
    lin = rows * CHUNK + cols
    valid = (rows % CHUNKS) * CHUNK + cols < EW
    ii_ref[...] = jnp.where(valid, et * N + src, lin % ROWS)
    oi_ref[...] = jnp.where(valid, dst, N + lin % SPARE)


def _run_indices(src_p, dst_p, et_p):
    grid = (ROWS2D // BR,)
    return pl.pallas_call(
        _index_body,
        grid=grid,
        in_specs=[
            pl.BlockSpec((BR, CHUNK), lambda b: (b, 0)),
            pl.BlockSpec((BR, CHUNK), lambda b: (b, 0)),
            pl.BlockSpec((BR, CHUNK), lambda b: (b, 0)),
        ],
        out_specs=[
            pl.BlockSpec((BR, CHUNK), lambda b: (b, 0)),
            pl.BlockSpec((BR, CHUNK), lambda b: (b, 0)),
        ],
        out_shape=[
            jax.ShapeDtypeStruct((ROWS2D, CHUNK), jnp.int32),
            jax.ShapeDtypeStruct((ROWS2D, CHUNK), jnp.int32),
        ],
    )(src_p, dst_p, et_p)



@functools.cache
def _build_sc_segment_sum():
    mesh = plsc.VectorSubcoreMesh(
        core_axis_name="c", subcore_axis_name="s",
        num_cores=NC, num_subcores=NS)

    @functools.partial(
        pl.kernel,
        out_type=jax.ShapeDtypeStruct((NC, N, H), jnp.float32),
        mesh=mesh,
        scratch_types=[
            pltpu.VMEM((CHUNKS, CHUNK), jnp.int32),
            pltpu.VMEM((CHUNKS, CHUNK), jnp.int32),
            pltpu.VMEM((NBUF, CHUNK, H), jnp.float32),
            pltpu.VMEM_SHARED((ACC_ROWS, H), jnp.float32),
            [pltpu.SemaphoreType.DMA] * NBUF,
        ],
        compiler_params=pltpu.CompilerParams(use_tc_tiling_on_sc=False),
    )
    def _sc_segment_sum(table_ref, ii_ref, oi_ref, z_ref, out_ref,
                        iidx, oidx, rows, acc, gsems):
        c = lax.axis_index("c")
        s = lax.axis_index("s")

        @pl.when(s < NS - 1)
        def _():
            pltpu.sync_copy(z_ref.at[pl.ds(0, RPW)],
                            acc.at[pl.ds(s * RPW, RPW)])

        @pl.when(s == NS - 1)
        def _():
            pltpu.sync_copy(z_ref.at[pl.ds(0, RPW_LAST + 8)],
                            acc.at[pl.ds(s * RPW, RPW_LAST + 8)])

        pltpu.sync_copy(ii_ref.at[c, s], iidx)
        pltpu.sync_copy(oi_ref.at[c, s], oidx)
        plsc.subcore_barrier()

        for b in range(NBUF):
            pltpu.async_copy(table_ref.at[iidx.at[b]], rows.at[b], gsems[b])

        def group(g, carry):
            for b in range(NBUF):
                j = g * NBUF + b
                pltpu.make_async_copy(table_ref.at[iidx.at[j]],
                                      rows.at[b], gsems[b]).wait()
                pltpu.sync_copy(rows.at[b], acc.at[oidx.at[j]], add=True)
                jn = j + NBUF

                @pl.when(jn < CHUNKS)
                def _():
                    pltpu.async_copy(table_ref.at[iidx.at[jn]],
                                     rows.at[b], gsems[b])
            return carry

        lax.fori_loop(0, CHUNKS // NBUF, group, 0)
        plsc.subcore_barrier()

        @pl.when(s < NS - 1)
        def _():
            pltpu.sync_copy(acc.at[pl.ds(s * RPW, RPW)],
                            out_ref.at[c, pl.ds(s * RPW, RPW)])

        @pl.when(s == NS - 1)
        def _():
            pltpu.sync_copy(acc.at[pl.ds(s * RPW, RPW_LAST)],
                            out_ref.at[c, pl.ds(s * RPW, RPW_LAST)])

    return _sc_segment_sum



def _update_body(x_ref, agg_ref, w1x_ref, b1_ref, w2_ref, b2_ref,
                 w3_ref, b3_ref, nt_ref, o_ref):
    x = x_ref[...]
    acc = (jnp.dot(_relu(x), w1x_ref[...], preferred_element_type=jnp.float32)
           + b1_ref[...])
    h1 = _relu(acc + agg_ref[0] + agg_ref[1])
    h2 = _relu(jnp.dot(h1, w2_ref[...], preferred_element_type=jnp.float32)
               + b2_ref[...])
    o = (jnp.dot(h2, w3_ref[...], preferred_element_type=jnp.float32)
         + b3_ref[...])
    nt = nt_ref[...]
    mask = jnp.logical_or(nt == 0.0, nt == 1.0).astype(jnp.float32)
    o_ref[...] = o * mask


def _run_update(x, agg, node_params, ntf):
    w1 = node_params['W1']
    w1x = w1[:D]
    b1 = node_params['b1'][None]
    w2 = node_params['W2']
    b2 = node_params['b2'][None]
    w3 = node_params['W3']
    b3 = node_params['b3'][None]
    grid = (N // BN,)
    return pl.pallas_call(
        _update_body,
        grid=grid,
        in_specs=[
            pl.BlockSpec((BN, D), lambda n: (n, 0)),
            pl.BlockSpec((NC, BN, H), lambda n: (0, n, 0)),
            pl.BlockSpec((D, H), lambda n: (0, 0)),
            pl.BlockSpec((1, H), lambda n: (0, 0)),
            pl.BlockSpec((H, H), lambda n: (0, 0)),
            pl.BlockSpec((1, H), lambda n: (0, 0)),
            pl.BlockSpec((H, D), lambda n: (0, 0)),
            pl.BlockSpec((1, D), lambda n: (0, 0)),
            pl.BlockSpec((BN, 1), lambda n: (n, 0)),
        ],
        out_specs=pl.BlockSpec((BN, D), lambda n: (n, 0)),
        out_shape=jax.ShapeDtypeStruct((N, D), jnp.float32),
    )(x, agg, w1x, b1, w2, b2, w3, b3, ntf)



def kernel(node_feature, params, edge_index, edge_type, node_type):
    src = edge_index[0]
    dst = edge_index[1]

    def per_worker(a):
        return jnp.pad(a.reshape(NW, EW),
                       ((0, 0), (0, E_PS - EW))).reshape(ROWS2D, CHUNK)

    src_p = per_worker(src)
    dst_p = per_worker(dst)
    et_p = per_worker(edge_type)

    w1 = params['node']['W1']
    w1r = w1[D:].reshape(R, D, H)
    tables = _run_tables(node_feature, params['rel'], w1r)
    ii, oi = _run_indices(src_p, dst_p, et_p)

    agg = _build_sc_segment_sum()(
        tables.reshape(ROWS, H),
        ii.reshape(NC, NS, CHUNKS, CHUNK),
        oi.reshape(NC, NS, CHUNKS, CHUNK),
        jnp.zeros((RPW + 8, H), jnp.float32),
    )

    ntf = node_type.astype(jnp.float32).reshape(N, 1)
    return _run_update(node_feature, agg, params['node'], ntf)

# --- scband reference (transcript-rebuilt; emitter-appended) ---
"""Pipeline reference for scband-relational-graph-layer-32581621907910 (READ-ONLY COPY).

The authoritative reference and input builder live on the scoring server;
editing this copy changes nothing except your own understanding.
"""

import jax, jax.numpy as jnp
import numpy as np

N = 10000
E = 320000
D = 128
H = 64
R = 3
NT = 2
UPDATE_NODE_TYPES = (0, 1)
UPDATE_EDGE_TYPES = (0, 1, 2)


def _mlp_params(key, din, dout):
    k1, k2, k3 = jax.random.split(key, 3)
    return {
        'W1': jax.random.normal(k1, (din, H), dtype=jnp.float32) / np.sqrt(din),
        'b1': jnp.zeros((H,), dtype=jnp.float32),
        'W2': jax.random.normal(k2, (H, H), dtype=jnp.float32) / np.sqrt(H),
        'b2': jnp.zeros((H,), dtype=jnp.float32),
        'W3': jax.random.normal(k3, (H, dout), dtype=jnp.float32) / np.sqrt(H),
        'b3': jnp.zeros((dout,), dtype=jnp.float32),
    }


def _mlp(p, x):
    h = jax.nn.relu(x @ p['W1'] + p['b1'])
    h = jax.nn.relu(h @ p['W2'] + p['b2'])
    return h @ p['W3'] + p['b3']


def setup_inputs(seed: int = 0):
    key = jax.random.key(seed)
    ks = jax.random.split(key, 5 + R)
    node_feature = jax.random.normal(ks[0], (N, D), dtype=jnp.float32)
    edge_index = jax.random.randint(ks[1], (2, E), 0, N, dtype=jnp.int32)
    edge_type = jax.random.randint(ks[2], (E,), 0, R, dtype=jnp.int32)
    node_type = jax.random.randint(ks[3], (N,), 0, NT, dtype=jnp.int32)
    params = {
        'rel': [_mlp_params(ks[4 + i], D, D) for i in range(R)],
        'node': _mlp_params(ks[4 + R], D * (R + 1), D),
    }
    return {'node_feature': node_feature, 'params': params, 'edge_index': edge_index,
            'edge_type': edge_type, 'node_type': node_type}


def reference(node_feature, params, edge_index, edge_type, node_type):
    src = edge_index[0]
    dst = edge_index[1]
    # message function: per-relation MLP on source features, masked by edge type
    x_src = jnp.take(node_feature, src, axis=0)
    aggs = [jax.nn.relu(node_feature)]
    for i in UPDATE_EDGE_TYPES:
        msg = jax.nn.relu(_mlp(params['rel'][i], x_src))
        msg = msg * (edge_type == i).astype(msg.dtype)[:, None]
        # reduce function: sum messages of each relation per destination node
        aggs.append(jax.ops.segment_sum(msg, dst, num_segments=N))
    node_enc = jnp.concatenate(aggs, axis=1)  # [N, D*(R+1)]
    # apply node function: single shared node updater (use_multi_node_types=False)
    updated = _mlp(params['node'], node_enc)
    types = jnp.asarray(UPDATE_NODE_TYPES, dtype=node_type.dtype)
    type_mask = (node_type[:, None] == types[None, :]).any(axis=1).astype(updated.dtype)[:, None]
    return updated * type_mask

if __name__ == "__main__":
    import jax
    _d = setup_inputs()
    print(jax.jit(kernel)(*tuple(_d.values())))

</pallas_src>

<mosaic_0001>
#map = affine_map<(d0, d1) -> (0, 0)>
#map1 = affine_map<(d0, d1) -> (0, 0, 0, 0)>
#map2 = affine_map<(d0, d1) -> (0, 0, 0)>
module attributes {stable_mosaic.version = 14 : i64} {
  func.func @_sc_segment_sum(%arg0: i32, %arg1: i32, %arg2: memref<30000x64xf32, #tpu.memory_space<hbm>>, %arg3: memref<2x16x80x128xi32, #tpu.memory_space<hbm>>, %arg4: memref<2x16x80x128xi32, #tpu.memory_space<hbm>>, %arg5: memref<640x64xf32, #tpu.memory_space<hbm>>, %arg6: memref<2x10000x64xf32, #tpu.memory_space<hbm>>, %arg7: memref<80x128xi32, #tpu.memory_space<vmem>>, %arg8: memref<80x128xi32, #tpu.memory_space<vmem>>, %arg9: memref<8x128x64xf32, #tpu.memory_space<vmem>>, %arg10: memref<10232x64xf32, #tpu.memory_space<vmem_shared>>, %arg11: memref<!tpu.dma_semaphore, #tpu.memory_space<semaphore_mem>>, %arg12: memref<!tpu.dma_semaphore, #tpu.memory_space<semaphore_mem>>, %arg13: memref<!tpu.dma_semaphore, #tpu.memory_space<semaphore_mem>>, %arg14: memref<!tpu.dma_semaphore, #tpu.memory_space<semaphore_mem>>, %arg15: memref<!tpu.dma_semaphore, #tpu.memory_space<semaphore_mem>>, %arg16: memref<!tpu.dma_semaphore, #tpu.memory_space<semaphore_mem>>, %arg17: memref<!tpu.dma_semaphore, #tpu.memory_space<semaphore_mem>>, %arg18: memref<!tpu.dma_semaphore, #tpu.memory_space<semaphore_mem>>) attributes {dimension_semantics = [#tpu.dimension_semantics<core_parallel>, #tpu.dimension_semantics<subcore_parallel>], iteration_bounds = array<i64: 2, 16>, scalar_prefetch = 0 : i64, scratch_operands = 12 : i64, tpu.core_type = #tpu.core_type<sc_vector_subcore>, window_params = [{transform_indices = #map}, {transform_indices = #map1}, {transform_indices = #map1}, {transform_indices = #map}, {transform_indices = #map2}]} {
    %lt3A = arith.constant 15 : i32
    %lt3A_0 = arith.cmpi slt, %arg1, %lt3A : i32
    %convert_element_type3A = arith.extui %lt3A_0 : i1 to i32
    %cond3A = arith.constant 0 : i32
    %cond3A_1 = arith.cmpi ne, %convert_element_type3A, %cond3A : i32
    scf.if %cond3A_1 {
      %mul3A = arith.constant 632 : i32
      %mul3A_117 = arith.muli %arg1, %mul3A : i32
      "tpu.region"() ({
        %run_scoped3A = tpu.sem_alloc : memref<!tpu.dma_semaphore, #tpu.memory_space<semaphore_mem>>
        %dma_start3A_118 = arith.constant 0 : i32
        %dma_start3A_119 = tpu.memref_slice %arg10[%mul3A_117, %dma_start3A_118] : memref<10232x64xf32, #tpu.memory_space<vmem_shared>> -> memref<632x64xf32, #tpu.memory_space<vmem_shared>>
        %dma_start3A_120 = arith.constant 0 : i32
        %dma_start3A_121 = arith.constant 0 : i32
        %dma_start3A_122 = tpu.memref_slice %arg5[%dma_start3A_120, %dma_start3A_121] : memref<640x64xf32, #tpu.memory_space<hbm>> -> memref<632x64xf32, #tpu.memory_space<hbm>>
        tpu.enqueue_dma source(%dma_start3A_122 : memref<632x64xf32, #tpu.memory_space<hbm>>) target(%dma_start3A_119 : memref<632x64xf32, #tpu.memory_space<vmem_shared>>) target_semaphore(%run_scoped3A : memref<!tpu.dma_semaphore, #tpu.memory_space<semaphore_mem>>)
        %dma_wait3A = arith.constant 0 : i32
        %dma_wait3A_123 = tpu.memref_slice %arg10[%mul3A_117, %dma_wait3A] : memref<10232x64xf32, #tpu.memory_space<vmem_shared>> -> memref<632x64xf32, #tpu.memory_space<vmem_shared>>
        %dma_wait3A_124 = arith.constant 0 : i32
        %dma_wait3A_125 = arith.constant 0 : i32
        %dma_wait3A_126 = tpu.memref_slice %arg5[%dma_wait3A_124, %dma_wait3A_125] : memref<640x64xf32, #tpu.memory_space<hbm>> -> memref<632x64xf32, #tpu.memory_space<hbm>>
        tpu.wait_dma2 semaphore(%run_scoped3A : memref<!tpu.dma_semaphore, #tpu.memory_space<semaphore_mem>>) src(%dma_wait3A_126 : memref<632x64xf32, #tpu.memory_space<hbm>>) dst(%dma_wait3A_123 : memref<632x64xf32, #tpu.memory_space<vmem_shared>>)
        tpu.yield
      }) : () -> ()
    } else {
    }
    %eq3A = arith.constant 15 : i32
    %eq3A_2 = arith.cmpi eq, %arg1, %eq3A : i32
    %convert_element_type3A_3 = arith.extui %eq3A_2 : i1 to i32
    %cond3A_4 = arith.constant 0 : i32
    %cond3A_5 = arith.cmpi ne, %convert_element_type3A_3, %cond3A_4 : i32
    scf.if %cond3A_5 {
      %mul3A = arith.constant 632 : i32
      %mul3A_117 = arith.muli %arg1, %mul3A : i32
      "tpu.region"() ({
        %run_scoped3A = tpu.sem_alloc : memref<!tpu.dma_semaphore, #tpu.memory_space<semaphore_mem>>
        %dma_start3A_118 = arith.constant 0 : i32
        %dma_start3A_119 = tpu.memref_slice %arg10[%mul3A_117, %dma_start3A_118] : memref<10232x64xf32, #tpu.memory_space<vmem_shared>> -> memref<528x64xf32, #tpu.memory_space<vmem_shared>>
        %dma_start3A_120 = arith.constant 0 : i32
        %dma_start3A_121 = arith.constant 0 : i32
        %dma_start3A_122 = tpu.memref_slice %arg5[%dma_start3A_120, %dma_start3A_121] : memref<640x64xf32, #tpu.memory_space<hbm>> -> memref<528x64xf32, #tpu.memory_space<hbm>>
        tpu.enqueue_dma source(%dma_start3A_122 : memref<528x64xf32, #tpu.memory_space<hbm>>) target(%dma_start3A_119 : memref<528x64xf32, #tpu.memory_space<vmem_shared>>) target_semaphore(%run_scoped3A : memref<!tpu.dma_semaphore, #tpu.memory_space<semaphore_mem>>)
        %dma_wait3A = arith.constant 0 : i32
        %dma_wait3A_123 = tpu.memref_slice %arg10[%mul3A_117, %dma_wait3A] : memref<10232x64xf32, #tpu.memory_space<vmem_shared>> -> memref<528x64xf32, #tpu.memory_space<vmem_shared>>
        %dma_wait3A_124 = arith.constant 0 : i32
        %dma_wait3A_125 = arith.constant 0 : i32
        %dma_wait3A_126 = tpu.memref_slice %arg5[%dma_wait3A_124, %dma_wait3A_125] : memref<640x64xf32, #tpu.memory_space<hbm>> -> memref<528x64xf32, #tpu.memory_space<hbm>>
        tpu.wait_dma2 semaphore(%run_scoped3A : memref<!tpu.dma_semaphore, #tpu.memory_space<semaphore_mem>>) src(%dma_wait3A_126 : memref<528x64xf32, #tpu.memory_space<hbm>>) dst(%dma_wait3A_123 : memref<528x64xf32, #tpu.memory_space<vmem_shared>>)
        tpu.yield
      }) : () -> ()
    } else {
    }
    "tpu.region"() ({
      %run_scoped3A = tpu.sem_alloc : memref<!tpu.dma_semaphore, #tpu.memory_space<semaphore_mem>>
      %dma_start3A_117 = arith.constant 0 : i32
      %dma_start3A_118 = arith.constant 0 : i32
      %dma_start3A_119 = tpu.memref_slice %arg3[%arg0, %arg1, %dma_start3A_117, %dma_start3A_118] : memref<2x16x80x128xi32, #tpu.memory_space<hbm>> -> memref<1x1x80x128xi32, #tpu.memory_space<hbm>>
      %dma_start3A_120 = tpu.memref_squeeze %dma_start3A_119 : memref<1x1x80x128xi32, #tpu.memory_space<hbm>> -> memref<80x128xi32, #tpu.memory_space<hbm>>
      %dma_start3A_121 = arith.constant 0 : i32
      %dma_start3A_122 = arith.constant 0 : i32
      %dma_start3A_123 = tpu.memref_slice %arg3[%arg0, %arg1, %dma_start3A_121, %dma_start3A_122] : memref<2x16x80x128xi32, #tpu.memory_space<hbm>> -> memref<1x1x80x128xi32, #tpu.memory_space<hbm>>
      %dma_start3A_124 = tpu.memref_squeeze %dma_start3A_123 : memref<1x1x80x128xi32, #tpu.memory_space<hbm>> -> memref<80x128xi32, #tpu.memory_space<hbm>>
      tpu.enqueue_dma source(%dma_start3A_124 : memref<80x128xi32, #tpu.memory_space<hbm>>) target(%arg7 : memref<80x128xi32, #tpu.memory_space<vmem>>) target_semaphore(%run_scoped3A : memref<!tpu.dma_semaphore, #tpu.memory_space<semaphore_mem>>)
      %dma_wait3A = arith.constant 0 : i32
      %dma_wait3A_125 = arith.constant 0 : i32
      %dma_wait3A_126 = tpu.memref_slice %arg3[%arg0, %arg1, %dma_wait3A, %dma_wait3A_125] : memref<2x16x80x128xi32, #tpu.memory_space<hbm>> -> memref<1x1x80x128xi32, #tpu.memory_space<hbm>>
      %dma_wait3A_127 = tpu.memref_squeeze %dma_wait3A_126 : memref<1x1x80x128xi32, #tpu.memory_space<hbm>> -> memref<80x128xi32, #tpu.memory_space<hbm>>
      %dma_wait3A_128 = arith.constant 0 : i32
      %dma_wait3A_129 = arith.constant 0 : i32
      %dma_wait3A_130 = tpu.memref_slice %arg3[%arg0, %arg1, %dma_wait3A_128, %dma_wait3A_129] : memref<2x16x80x128xi32, #tpu.memory_space<hbm>> -> memref<1x1x80x128xi32, #tpu.memory_space<hbm>>
      %dma_wait3A_131 = tpu.memref_squeeze %dma_wait3A_130 : memref<1x1x80x128xi32, #tpu.memory_space<hbm>> -> memref<80x128xi32, #tpu.memory_space<hbm>>
      tpu.wait_dma2 semaphore(%run_scoped3A : memref<!tpu.dma_semaphore, #tpu.memory_space<semaphore_mem>>) src(%dma_wait3A_131 : memref<80x128xi32, #tpu.memory_space<hbm>>) dst(%arg7 : memref<80x128xi32, #tpu.memory_space<vmem>>)
      tpu.yield
    }) : () -> ()
    "tpu.region"() ({
      %run_scoped3A = tpu.sem_alloc : memref<!tpu.dma_semaphore, #tpu.memory_space<semaphore_mem>>
      %dma_start3A_117 = arith.constant 0 : i32
      %dma_start3A_118 = arith.constant 0 : i32
      %dma_start3A_119 = tpu.memref_slice %arg4[%arg0, %arg1, %dma_start3A_117, %dma_start3A_118] : memref<2x16x80x128xi32, #tpu.memory_space<hbm>> -> memref<1x1x80x128xi32, #tpu.memory_space<hbm>>
      %dma_start3A_120 = tpu.memref_squeeze %dma_start3A_119 : memref<1x1x80x128xi32, #tpu.memory_space<hbm>> -> memref<80x128xi32, #tpu.memory_space<hbm>>
      %dma_start3A_121 = arith.constant 0 : i32
      %dma_start3A_122 = arith.constant 0 : i32
      %dma_start3A_123 = tpu.memref_slice %arg4[%arg0, %arg1, %dma_start3A_121, %dma_start3A_122] : memref<2x16x80x128xi32, #tpu.memory_space<hbm>> -> memref<1x1x80x128xi32, #tpu.memory_space<hbm>>
      %dma_start3A_124 = tpu.memref_squeeze %dma_start3A_123 : memref<1x1x80x128xi32, #tpu.memory_space<hbm>> -> memref<80x128xi32, #tpu.memory_space<hbm>>
      tpu.enqueue_dma source(%dma_start3A_124 : memref<80x128xi32, #tpu.memory_space<hbm>>) target(%arg8 : memref<80x128xi32, #tpu.memory_space<vmem>>) target_semaphore(%run_scoped3A : memref<!tpu.dma_semaphore, #tpu.memory_space<semaphore_mem>>)
      %dma_wait3A = arith.constant 0 : i32
      %dma_wait3A_125 = arith.constant 0 : i32
      %dma_wait3A_126 = tpu.memref_slice %arg4[%arg0, %arg1, %dma_wait3A, %dma_wait3A_125] : memref<2x16x80x128xi32, #tpu.memory_space<hbm>> -> memref<1x1x80x128xi32, #tpu.memory_space<hbm>>
      %dma_wait3A_127 = tpu.memref_squeeze %dma_wait3A_126 : memref<1x1x80x128xi32, #tpu.memory_space<hbm>> -> memref<80x128xi32, #tpu.memory_space<hbm>>
      %dma_wait3A_128 = arith.constant 0 : i32
      %dma_wait3A_129 = arith.constant 0 : i32
      %dma_wait3A_130 = tpu.memref_slice %arg4[%arg0, %arg1, %dma_wait3A_128, %dma_wait3A_129] : memref<2x16x80x128xi32, #tpu.memory_space<hbm>> -> memref<1x1x80x128xi32, #tpu.memory_space<hbm>>
      %dma_wait3A_131 = tpu.memref_squeeze %dma_wait3A_130 : memref<1x1x80x128xi32, #tpu.memory_space<hbm>> -> memref<80x128xi32, #tpu.memory_space<hbm>>
      tpu.wait_dma2 semaphore(%run_scoped3A : memref<!tpu.dma_semaphore, #tpu.memory_space<semaphore_mem>>) src(%dma_wait3A_131 : memref<80x128xi32, #tpu.memory_space<hbm>>) dst(%arg8 : memref<80x128xi32, #tpu.memory_space<vmem>>)
      tpu.yield
    }) : () -> ()
    %barrier3A = arith.constant 0 : index
    tpu.barrier barrier_id(%barrier3A)
    %dma_start3A = arith.constant 0 : i32
    %dma_start3A_6 = arith.constant 0 : i32
    %dma_start3A_7 = arith.constant 0 : i32
    %dma_start3A_8 = arith.constant 0 : i32
    %dma_start3A_9 = tpu.memref_slice %arg9[%dma_start3A_6, %dma_start3A_7, %dma_start3A_8] : memref<8x128x64xf32, #tpu.memory_space<vmem>> -> memref<1x128x64xf32, #tpu.memory_space<vmem>>
    %dma_start3A_10 = tpu.memref_squeeze %dma_start3A_9 : memref<1x128x64xf32, #tpu.memory_space<vmem>> -> memref<128x64xf32, #tpu.memory_space<vmem>>
    %dma_start3A_11 = arith.constant 0 : i32
    %dma_start3A_12 = tpu.memref_slice %arg7[%dma_start3A, %dma_start3A_11] : memref<80x128xi32, #tpu.memory_space<vmem>> -> memref<1x128xi32, #tpu.memory_space<vmem>>
    %dma_start3A_13 = tpu.memref_squeeze %dma_start3A_12 : memref<1x128xi32, #tpu.memory_space<vmem>> -> memref<128xi32, #tpu.memory_space<vmem>>
    %dma_start3A_14 = arith.constant 0 : i32
    %dma_start3A_15 = arith.constant 0 : i32
    %dma_start3A_16 = tpu.memref_slice %arg2[%dma_start3A_14, %dma_start3A_15] : memref<30000x64xf32, #tpu.memory_space<hbm>> -> memref<30000x64xf32, #tpu.memory_space<hbm>>
    tpu.enqueue_indirect_dma source(%dma_start3A_16 : memref<30000x64xf32, #tpu.memory_space<hbm>>) target(%dma_start3A_10 : memref<128x64xf32, #tpu.memory_space<vmem>>) offsets(%dma_start3A_13 : memref<128xi32, #tpu.memory_space<vmem>>) semaphore(%arg11 : memref<!tpu.dma_semaphore, #tpu.memory_space<semaphore_mem>>)
    %dma_start3A_17 = arith.constant 1 : i32
    %dma_start3A_18 = arith.constant 1 : i32
    %dma_start3A_19 = arith.constant 0 : i32
    %dma_start3A_20 = arith.constant 0 : i32
    %dma_start3A_21 = tpu.memref_slice %arg9[%dma_start3A_18, %dma_start3A_19, %dma_start3A_20] : memref<8x128x64xf32, #tpu.memory_space<vmem>> -> memref<1x128x64xf32, #tpu.memory_space<vmem>>
    %dma_start3A_22 = tpu.memref_squeeze %dma_start3A_21 : memref<1x128x64xf32, #tpu.memory_space<vmem>> -> memref<128x64xf32, #tpu.memory_space<vmem>>
    %dma_start3A_23 = arith.constant 0 : i32
    %dma_start3A_24 = tpu.memref_slice %arg7[%dma_start3A_17, %dma_start3A_23] : memref<80x128xi32, #tpu.memory_space<vmem>> -> memref<1x128xi32, #tpu.memory_space<vmem>>
    %dma_start3A_25 = tpu.memref_squeeze %dma_start3A_24 : memref<1x128xi32, #tpu.memory_space<vmem>> -> memref<128xi32, #tpu.memory_space<vmem>>
    %dma_start3A_26 = arith.constant 0 : i32
    %dma_start3A_27 = arith.constant 0 : i32
    %dma_start3A_28 = tpu.memref_slice %arg2[%dma_start3A_26, %dma_start3A_27] : memref<30000x64xf32, #tpu.memory_space<hbm>> -> memref<30000x64xf32, #tpu.memory_space<hbm>>
    tpu.enqueue_indirect_dma source(%dma_start3A_28 : memref<30000x64xf32, #tpu.memory_space<hbm>>) target(%dma_start3A_22 : memref<128x64xf32, #tpu.memory_space<vmem>>) offsets(%dma_start3A_25 : memref<128xi32, #tpu.memory_space<vmem>>) semaphore(%arg12 : memref<!tpu.dma_semaphore, #tpu.memory_space<semaphore_mem>>)
    %dma_start3A_29 = arith.constant 2 : i32
    %dma_start3A_30 = arith.constant 2 : i32
    %dma_start3A_31 = arith.constant 0 : i32
    %dma_start3A_32 = arith.constant 0 : i32
    %dma_start3A_33 = tpu.memref_slice %arg9[%dma_start3A_30, %dma_start3A_31, %dma_start3A_32] : memref<8x128x64xf32, #tpu.memory_space<vmem>> -> memref<1x128x64xf32, #tpu.memory_space<vmem>>
    %dma_start3A_34 = tpu.memref_squeeze %dma_start3A_33 : memref<1x128x64xf32, #tpu.memory_space<vmem>> -> memref<128x64xf32, #tpu.memory_space<vmem>>
    %dma_start3A_35 = arith.constant 0 : i32
    %dma_start3A_36 = tpu.memref_slice %arg7[%dma_start3A_29, %dma_start3A_35] : memref<80x128xi32, #tpu.memory_space<vmem>> -> memref<1x128xi32, #tpu.memory_space<vmem>>
    %dma_start3A_37 = tpu.memref_squeeze %dma_start3A_36 : memref<1x128xi32, #tpu.memory_space<vmem>> -> memref<128xi32, #tpu.memory_space<vmem>>
    %dma_start3A_38 = arith.constant 0 : i32
    %dma_start3A_39 = arith.constant 0 : i32
    %dma_start3A_40 = tpu.memref_slice %arg2[%dma_start3A_38, %dma_start3A_39] : memref<30000x64xf32, #tpu.memory_space<hbm>> -> memref<30000x64xf32, #tpu.memory_space<hbm>>
    tpu.enqueue_indirect_dma source(%dma_start3A_40 : memref<30000x64xf32, #tpu.memory_space<hbm>>) target(%dma_start3A_34 : memref<128x64xf32, #tpu.memory_space<vmem>>) offsets(%dma_start3A_37 : memref<128xi32, #tpu.memory_space<vmem>>) semaphore(%arg13 : memref<!tpu.dma_semaphore, #tpu.memory_space<semaphore_mem>>)
    %dma_start3A_41 = arith.constant 3 : i32
    %dma_start3A_42 = arith.constant 3 : i32
    %dma_start3A_43 = arith.constant 0 : i32
    %dma_start3A_44 = arith.constant 0 : i32
    %dma_start3A_45 = tpu.memref_slice %arg9[%dma_start3A_42, %dma_start3A_43, %dma_start3A_44] : memref<8x128x64xf32, #tpu.memory_space<vmem>> -> memref<1x128x64xf32, #tpu.memory_space<vmem>>
    %dma_start3A_46 = tpu.memref_squeeze %dma_start3A_45 : memref<1x128x64xf32, #tpu.memory_space<vmem>> -> memref<128x64xf32, #tpu.memory_space<vmem>>
    %dma_start3A_47 = arith.constant 0 : i32
    %dma_start3A_48 = tpu.memref_slice %arg7[%dma_start3A_41, %dma_start3A_47] : memref<80x128xi32, #tpu.memory_space<vmem>> -> memref<1x128xi32, #tpu.memory_space<vmem>>
    %dma_start3A_49 = tpu.memref_squeeze %dma_start3A_48 : memref<1x128xi32, #tpu.memory_space<vmem>> -> memref<128xi32, #tpu.memory_space<vmem>>
    %dma_start3A_50 = arith.constant 0 : i32
    %dma_start3A_51 = arith.constant 0 : i32
    %dma_start3A_52 = tpu.memref_slice %arg2[%dma_start3A_50, %dma_start3A_51] : memref<30000x64xf32, #tpu.memory_space<hbm>> -> memref<30000x64xf32, #tpu.memory_space<hbm>>
    tpu.enqueue_indirect_dma source(%dma_start3A_52 : memref<30000x64xf32, #tpu.memory_space<hbm>>) target(%dma_start3A_46 : memref<128x64xf32, #tpu.memory_space<vmem>>) offsets(%dma_start3A_49 : memref<128xi32, #tpu.memory_space<vmem>>) semaphore(%arg14 : memref<!tpu.dma_semaphore, #tpu.memory_space<semaphore_mem>>)
    %dma_start3A_53 = arith.constant 4 : i32
    %dma_start3A_54 = arith.constant 4 : i32
    %dma_start3A_55 = arith.constant 0 : i32
    %dma_start3A_56 = arith.constant 0 : i32
    %dma_start3A_57 = tpu.memref_slice %arg9[%dma_start3A_54, %dma_start3A_55, %dma_start3A_56] : memref<8x128x64xf32, #tpu.memory_space<vmem>> -> memref<1x128x64xf32, #tpu.memory_space<vmem>>
    %dma_start3A_58 = tpu.memref_squeeze %dma_start3A_57 : memref<1x128x64xf32, #tpu.memory_space<vmem>> -> memref<128x64xf32, #tpu.memory_space<vmem>>
    %dma_start3A_59 = arith.constant 0 : i32
    %dma_start3A_60 = tpu.memref_slice %arg7[%dma_start3A_53, %dma_start3A_59] : memref<80x128xi32, #tpu.memory_space<vmem>> -> memref<1x128xi32, #tpu.memory_space<vmem>>
    %dma_start3A_61 = tpu.memref_squeeze %dma_start3A_60 : memref<1x128xi32, #tpu.memory_space<vmem>> -> memref<128xi32, #tpu.memory_space<vmem>>
    %dma_start3A_62 = arith.constant 0 : i32
    %dma_start3A_63 = arith.constant 0 : i32
    %dma_start3A_64 = tpu.memref_slice %arg2[%dma_start3A_62, %dma_start3A_63] : memref<30000x64xf32, #tpu.memory_space<hbm>> -> memref<30000x64xf32, #tpu.memory_space<hbm>>
    tpu.enqueue_indirect_dma source(%dma_start3A_64 : memref<30000x64xf32, #tpu.memory_space<hbm>>) target(%dma_start3A_58 : memref<128x64xf32, #tpu.memory_space<vmem>>) offsets(%dma_start3A_61 : memref<128xi32, #tpu.memory_space<vmem>>) semaphore(%arg15 : memref<!tpu.dma_semaphore, #tpu.memory_space<semaphore_mem>>)
    %dma_start3A_65 = arith.constant 5 : i32
    %dma_start3A_66 = arith.constant 5 : i32
    %dma_start3A_67 = arith.constant 0 : i32
    %dma_start3A_68 = arith.constant 0 : i32
    %dma_start3A_69 = tpu.memref_slice %arg9[%dma_start3A_66, %dma_start3A_67, %dma_start3A_68] : memref<8x128x64xf32, #tpu.memory_space<vmem>> -> memref<1x128x64xf32, #tpu.memory_space<vmem>>
    %dma_start3A_70 = tpu.memref_squeeze %dma_start3A_69 : memref<1x128x64xf32, #tpu.memory_space<vmem>> -> memref<128x64xf32, #tpu.memory_space<vmem>>
    %dma_start3A_71 = arith.constant 0 : i32
    %dma_start3A_72 = tpu.memref_slice %arg7[%dma_start3A_65, %dma_start3A_71] : memref<80x128xi32, #tpu.memory_space<vmem>> -> memref<1x128xi32, #tpu.memory_space<vmem>>
    %dma_start3A_73 = tpu.memref_squeeze %dma_start3A_72 : memref<1x128xi32, #tpu.memory_space<vmem>> -> memref<128xi32, #tpu.memory_space<vmem>>
    %dma_start3A_74 = arith.constant 0 : i32
    %dma_start3A_75 = arith.constant 0 : i32
    %dma_start3A_76 = tpu.memref_slice %arg2[%dma_start3A_74, %dma_start3A_75] : memref<30000x64xf32, #tpu.memory_space<hbm>> -> memref<30000x64xf32, #tpu.memory_space<hbm>>
    tpu.enqueue_indirect_dma source(%dma_start3A_76 : memref<30000x64xf32, #tpu.memory_space<hbm>>) target(%dma_start3A_70 : memref<128x64xf32, #tpu.memory_space<vmem>>) offsets(%dma_start3A_73 : memref<128xi32, #tpu.memory_space<vmem>>) semaphore(%arg16 : memref<!tpu.dma_semaphore, #tpu.memory_space<semaphore_mem>>)
    %dma_start3A_77 = arith.constant 6 : i32
    %dma_start3A_78 = arith.constant 6 : i32
    %dma_start3A_79 = arith.constant 0 : i32
    %dma_start3A_80 = arith.constant 0 : i32
    %dma_start3A_81 = tpu.memref_slice %arg9[%dma_start3A_78, %dma_start3A_79, %dma_start3A_80] : memref<8x128x64xf32, #tpu.memory_space<vmem>> -> memref<1x128x64xf32, #tpu.memory_space<vmem>>
    %dma_start3A_82 = tpu.memref_squeeze %dma_start3A_81 : memref<1x128x64xf32, #tpu.memory_space<vmem>> -> memref<128x64xf32, #tpu.memory_space<vmem>>
    %dma_start3A_83 = arith.constant 0 : i32
    %dma_start3A_84 = tpu.memref_slice %arg7[%dma_start3A_77, %dma_start3A_83] : memref<80x128xi32, #tpu.memory_space<vmem>> -> memref<1x128xi32, #tpu.memory_space<vmem>>
    %dma_start3A_85 = tpu.memref_squeeze %dma_start3A_84 : memref<1x128xi32, #tpu.memory_space<vmem>> -> memref<128xi32, #tpu.memory_space<vmem>>
    %dma_start3A_86 = arith.constant 0 : i32
    %dma_start3A_87 = arith.constant 0 : i32
    %dma_start3A_88 = tpu.memref_slice %arg2[%dma_start3A_86, %dma_start3A_87] : memref<30000x64xf32, #tpu.memory_space<hbm>> -> memref<30000x64xf32, #tpu.memory_space<hbm>>
    tpu.enqueue_indirect_dma source(%dma_start3A_88 : memref<30000x64xf32, #tpu.memory_space<hbm>>) target(%dma_start3A_82 : memref<128x64xf32, #tpu.memory_space<vmem>>) offsets(%dma_start3A_85 : memref<128xi32, #tpu.memory_space<vmem>>) semaphore(%arg17 : memref<!tpu.dma_semaphore, #tpu.memory_space<semaphore_mem>>)
    %dma_start3A_89 = arith.constant 7 : i32
    %dma_start3A_90 = arith.constant 7 : i32
    %dma_start3A_91 = arith.constant 0 : i32
    %dma_start3A_92 = arith.constant 0 : i32
    %dma_start3A_93 = tpu.memref_slice %arg9[%dma_start3A_90, %dma_start3A_91, %dma_start3A_92] : memref<8x128x64xf32, #tpu.memory_space<vmem>> -> memref<1x128x64xf32, #tpu.memory_space<vmem>>
    %dma_start3A_94 = tpu.memref_squeeze %dma_start3A_93 : memref<1x128x64xf32, #tpu.memory_space<vmem>> -> memref<128x64xf32, #tpu.memory_space<vmem>>
    %dma_start3A_95 = arith.constant 0 : i32
    %dma_start3A_96 = tpu.memref_slice %arg7[%dma_start3A_89, %dma_start3A_95] : memref<80x128xi32, #tpu.memory_space<vmem>> -> memref<1x128xi32, #tpu.memory_space<vmem>>
    %dma_start3A_97 = tpu.memref_squeeze %dma_start3A_96 : memref<1x128xi32, #tpu.memory_space<vmem>> -> memref<128xi32, #tpu.memory_space<vmem>>
    %dma_start3A_98 = arith.constant 0 : i32
    %dma_start3A_99 = arith.constant 0 : i32
    %dma_start3A_100 = tpu.memref_slice %arg2[%dma_start3A_98, %dma_start3A_99] : memref<30000x64xf32, #tpu.memory_space<hbm>> -> memref<30000x64xf32, #tpu.memory_space<hbm>>
    tpu.enqueue_indirect_dma source(%dma_start3A_100 : memref<30000x64xf32, #tpu.memory_space<hbm>>) target(%dma_start3A_94 : memref<128x64xf32, #tpu.memory_space<vmem>>) offsets(%dma_start3A_97 : memref<128xi32, #tpu.memory_space<vmem>>) semaphore(%arg18 : memref<!tpu.dma_semaphore, #tpu.memory_space<semaphore_mem>>)
    %scan3A = arith.constant 0 : i32
    %scan3A_101 = arith.constant 0 : i32
    %scan3A_102 = arith.constant 10 : i32
    %scan3A_103 = arith.addi %scan3A_101, %scan3A_102 : i32
    %scan3A_104 = arith.constant 1 : i32
    scf.for %scan3A_117 = %scan3A_101 to %scan3A_103 step %scan3A_104  : i32 {
      %mul3A = arith.constant 8 : i32
      %mul3A_118 = arith.muli %scan3A_117, %mul3A : i32
      %add3A = arith.constant 0 : i32
      %add3A_119 = arith.addi %mul3A_118, %add3A : i32
      %dma_wait3A = arith.constant 0 : i32
      %dma_wait3A_120 = arith.constant 0 : i32
      %dma_wait3A_121 = arith.constant 0 : i32
      %dma_wait3A_122 = tpu.memref_slice %arg9[%dma_wait3A, %dma_wait3A_120, %dma_wait3A_121] : memref<8x128x64xf32, #tpu.memory_space<vmem>> -> memref<1x128x64xf32, #tpu.memory_space<vmem>>
      %dma_wait3A_123 = tpu.memref_squeeze %dma_wait3A_122 : memref<1x128x64xf32, #tpu.memory_space<vmem>> -> memref<128x64xf32, #tpu.memory_space<vmem>>
      %dma_wait3A_124 = arith.constant 0 : i32
      %dma_wait3A_125 = tpu.memref_slice %arg7[%add3A_119, %dma_wait3A_124] : memref<80x128xi32, #tpu.memory_space<vmem>> -> memref<1x128xi32, #tpu.memory_space<vmem>>
      %dma_wait3A_126 = tpu.memref_squeeze %dma_wait3A_125 : memref<1x128xi32, #tpu.memory_space<vmem>> -> memref<128xi32, #tpu.memory_space<vmem>>
      %dma_wait3A_127 = arith.constant 0 : i32
      %dma_wait3A_128 = arith.constant 0 : i32
      %dma_wait3A_129 = tpu.memref_slice %arg2[%dma_wait3A_127, %dma_wait3A_128] : memref<30000x64xf32, #tpu.memory_space<hbm>> -> memref<30000x64xf32, #tpu.memory_space<hbm>>
      tpu.wait_indirect_dma semaphore(%arg11 : memref<!tpu.dma_semaphore, #tpu.memory_space<semaphore_mem>>) src(%dma_wait3A_129 : memref<30000x64xf32, #tpu.memory_space<hbm>>) dst(%dma_wait3A_123 : memref<128x64xf32, #tpu.memory_space<vmem>>)
      %run_scoped3A = arith.constant 0 : i32
      "tpu.region"() ({
        %run_scoped3A_298 = tpu.sem_alloc : memref<!tpu.dma_semaphore, #tpu.memory_space<semaphore_mem>>
        %dma_start3A_299 = arith.constant 0 : i32
        %dma_start3A_300 = arith.constant 0 : i32
        %dma_start3A_301 = tpu.memref_slice %arg9[%run_scoped3A, %dma_start3A_299, %dma_start3A_300] : memref<8x128x64xf32, #tpu.memory_space<vmem>> -> memref<1x128x64xf32, #tpu.memory_space<vmem>>
        %dma_start3A_302 = tpu.memref_squeeze %dma_start3A_301 : memref<1x128x64xf32, #tpu.memory_space<vmem>> -> memref<128x64xf32, #tpu.memory_space<vmem>>
        %dma_start3A_303 = arith.constant 0 : i32
        %dma_start3A_304 = tpu.memref_slice %arg8[%add3A_119, %dma_start3A_303] : memref<80x128xi32, #tpu.memory_space<vmem>> -> memref<1x128xi32, #tpu.memory_space<vmem>>
        %dma_start3A_305 = tpu.memref_squeeze %dma_start3A_304 : memref<1x128xi32, #tpu.memory_space<vmem>> -> memref<128xi32, #tpu.memory_space<vmem>>
        %dma_start3A_306 = arith.constant 0 : i32
        %dma_start3A_307 = arith.constant 0 : i32
        %dma_start3A_308 = tpu.memref_slice %arg10[%dma_start3A_306, %dma_start3A_307] : memref<10232x64xf32, #tpu.memory_space<vmem_shared>> -> memref<10232x64xf32, #tpu.memory_space<vmem_shared>>
        tpu.enqueue_indirect_dma source(%dma_start3A_302 : memref<128x64xf32, #tpu.memory_space<vmem>>) target(%dma_start3A_308 : memref<10232x64xf32, #tpu.memory_space<vmem_shared>>) offsets(%dma_start3A_305 : memref<128xi32, #tpu.memory_space<vmem>>) semaphore(%run_scoped3A_298 : memref<!tpu.dma_semaphore, #tpu.memory_space<semaphore_mem>>) {add = true}
        %dma_wait3A_309 = arith.constant 0 : i32
        %dma_wait3A_310 = arith.constant 0 : i32
        %dma_wait3A_311 = tpu.memref_slice %arg9[%run_scoped3A, %dma_wait3A_309, %dma_wait3A_310] : memref<8x128x64xf32, #tpu.memory_space<vmem>> -> memref<1x128x64xf32, #tpu.memory_space<vmem>>
        %dma_wait3A_312 = tpu.memref_squeeze %dma_wait3A_311 : memref<1x128x64xf32, #tpu.memory_space<vmem>> -> memref<128x64xf32, #tpu.memory_space<vmem>>
        %dma_wait3A_313 = arith.constant 0 : i32
        %dma_wait3A_314 = tpu.memref_slice %arg8[%add3A_119, %dma_wait3A_313] : memref<80x128xi32, #tpu.memory_space<vmem>> -> memref<1x128xi32, #tpu.memory_space<vmem>>
        %dma_wait3A_315 = tpu.memref_squeeze %dma_wait3A_314 : memref<1x128xi32, #tpu.memory_space<vmem>> -> memref<128xi32, #tpu.memory_space<vmem>>
        %dma_wait3A_316 = arith.constant 0 : i32
        %dma_wait3A_317 = arith.constant 0 : i32
        %dma_wait3A_318 = tpu.memref_slice %arg10[%dma_wait3A_316, %dma_wait3A_317] : memref<10232x64xf32, #tpu.memory_space<vmem_shared>> -> memref<10232x64xf32, #tpu.memory_space<vmem_shared>>
        tpu.wait_indirect_dma semaphore(%run_scoped3A_298 : memref<!tpu.dma_semaphore, #tpu.memory_space<semaphore_mem>>) src(%dma_wait3A_312 : memref<128x64xf32, #tpu.memory_space<vmem>>) dst(%dma_wait3A_318 : memref<10232x64xf32, #tpu.memory_space<vmem_shared>>)
        tpu.yield
      }) : () -> ()
      %add3A_130 = arith.constant 8 : i32
      %add3A_131 = arith.addi %add3A_119, %add3A_130 : i32
      %lt3A_132 = arith.constant 80 : i32
      %lt3A_133 = arith.cmpi slt, %add3A_131, %lt3A_132 : i32
      %convert_element_type3A_134 = arith.extui %lt3A_133 : i1 to i32
      %cond3A_135 = arith.constant 0 : i32
      %cond3A_136 = arith.cmpi ne, %convert_element_type3A_134, %cond3A_135 : i32
      scf.if %cond3A_136 {
        %dma_start3A_298 = arith.constant 0 : i32
        %dma_start3A_299 = arith.constant 0 : i32
        %dma_start3A_300 = arith.constant 0 : i32
        %dma_start3A_301 = tpu.memref_slice %arg9[%dma_start3A_298, %dma_start3A_299, %dma_start3A_300] : memref<8x128x64xf32, #tpu.memory_space<vmem>> -> memref<1x128x64xf32, #tpu.memory_space<vmem>>
        %dma_start3A_302 = tpu.memref_squeeze %dma_start3A_301 : memref<1x128x64xf32, #tpu.memory_space<vmem>> -> memref<128x64xf32, #tpu.memory_space<vmem>>
        %dma_start3A_303 = arith.constant 0 : i32
        %dma_start3A_304 = tpu.memref_slice %arg7[%add3A_131, %dma_start3A_303] : memref<80x128xi32, #tpu.memory_space<vmem>> -> memref<1x128xi32, #tpu.memory_space<vmem>>
        %dma_start3A_305 = tpu.memref_squeeze %dma_start3A_304 : memref<1x128xi32, #tpu.memory_space<vmem>> -> memref<128xi32, #tpu.memory_space<vmem>>
        %dma_start3A_306 = arith.constant 0 : i32
        %dma_start3A_307 = arith.constant 0 : i32
        %dma_start3A_308 = tpu.memref_slice %arg2[%dma_start3A_306, %dma_start3A_307] : memref<30000x64xf32, #tpu.memory_space<hbm>> -> memref<30000x64xf32, #tpu.memory_space<hbm>>
        tpu.enqueue_indirect_dma source(%dma_start3A_308 : memref<30000x64xf32, #tpu.memory_space<hbm>>) target(%dma_start3A_302 : memref<128x64xf32, #tpu.memory_space<vmem>>) offsets(%dma_start3A_305 : memref<128xi32, #tpu.memory_space<vmem>>) semaphore(%arg11 : memref<!tpu.dma_semaphore, #tpu.memory_space<semaphore_mem>>)
      } else {
      }
      %mul3A_137 = arith.constant 8 : i32
      %mul3A_138 = arith.muli %scan3A_117, %mul3A_137 : i32
      %add3A_139 = arith.constant 1 : i32
      %add3A_140 = arith.addi %mul3A_138, %add3A_139 : i32
      %dma_wait3A_141 = arith.constant 1 : i32
      %dma_wait3A_142 = arith.constant 0 : i32
      %dma_wait3A_143 = arith.constant 0 : i32
      %dma_wait3A_144 = tpu.memref_slice %arg9[%dma_wait3A_141, %dma_wait3A_142, %dma_wait3A_143] : memref<8x128x64xf32, #tpu.memory_space<vmem>> -> memref<1x128x64xf32, #tpu.memory_space<vmem>>
      %dma_wait3A_145 = tpu.memref_squeeze %dma_wait3A_144 : memref<1x128x64xf32, #tpu.memory_space<vmem>> -> memref<128x64xf32, #tpu.memory_space<vmem>>
      %dma_wait3A_146 = arith.constant 0 : i32
      %dma_wait3A_147 = tpu.memref_slice %arg7[%add3A_140, %dma_wait3A_146] : memref<80x128xi32, #tpu.memory_space<vmem>> -> memref<1x128xi32, #tpu.memory_space<vmem>>
      %dma_wait3A_148 = tpu.memref_squeeze %dma_wait3A_147 : memref<1x128xi32, #tpu.memory_space<vmem>> -> memref<128xi32, #tpu.memory_space<vmem>>
      %dma_wait3A_149 = arith.constant 0 : i32
      %dma_wait3A_150 = arith.constant 0 : i32
      %dma_wait3A_151 = tpu.memref_slice %arg2[%dma_wait3A_149, %dma_wait3A_150] : memref<30000x64xf32, #tpu.memory_space<hbm>> -> memref<30000x64xf32, #tpu.memory_space<hbm>>
      tpu.wait_indirect_dma semaphore(%arg12 : memref<!tpu.dma_semaphore, #tpu.memory_space<semaphore_mem>>) src(%dma_wait3A_151 : memref<30000x64xf32, #tpu.memory_space<hbm>>) dst(%dma_wait3A_145 : memref<128x64xf32, #tpu.memory_space<vmem>>)
      %run_scoped3A_152 = arith.constant 1 : i32
      "tpu.region"() ({
        %run_scoped3A_298 = tpu.sem_alloc : memref<!tpu.dma_semaphore, #tpu.memory_space<semaphore_mem>>
        %dma_start3A_299 = arith.constant 0 : i32
        %dma_start3A_300 = arith.constant 0 : i32
        %dma_start3A_301 = tpu.memref_slice %arg9[%run_scoped3A_152, %dma_start3A_299, %dma_start3A_300] : memref<8x128x64xf32, #tpu.memory_space<vmem>> -> memref<1x128x64xf32, #tpu.memory_space<vmem>>
        %dma_start3A_302 = tpu.memref_squeeze %dma_start3A_301 : memref<1x128x64xf32, #tpu.memory_space<vmem>> -> memref<128x64xf32, #tpu.memory_space<vmem>>
        %dma_start3A_303 = arith.constant 0 : i32
        %dma_start3A_304 = tpu.memref_slice %arg8[%add3A_140, %dma_start3A_303] : memref<80x128xi32, #tpu.memory_space<vmem>> -> memref<1x128xi32, #tpu.memory_space<vmem>>
        %dma_start3A_305 = tpu.memref_squeeze %dma_start3A_304 : memref<1x128xi32, #tpu.memory_space<vmem>> -> memref<128xi32, #tpu.memory_space<vmem>>
        %dma_start3A_306 = arith.constant 0 : i32
        %dma_start3A_307 = arith.constant 0 : i32
        %dma_start3A_308 = tpu.memref_slice %arg10[%dma_start3A_306, %dma_start3A_307] : memref<10232x64xf32, #tpu.memory_space<vmem_shared>> -> memref<10232x64xf32, #tpu.memory_space<vmem_shared>>
        tpu.enqueue_indirect_dma source(%dma_start3A_302 : memref<128x64xf32, #tpu.memory_space<vmem>>) target(%dma_start3A_308 : memref<10232x64xf32, #tpu.memory_space<vmem_shared>>) offsets(%dma_start3A_305 : memref<128xi32, #tpu.memory_space<vmem>>) semaphore(%run_scoped3A_298 : memref<!tpu.dma_semaphore, #tpu.memory_space<semaphore_mem>>) {add = true}
        %dma_wait3A_309 = arith.constant 0 : i32
        %dma_wait3A_310 = arith.constant 0 : i32
        %dma_wait3A_311 = tpu.memref_slice %arg9[%run_scoped3A_152, %dma_wait3A_309, %dma_wait3A_310] : memref<8x128x64xf32, #tpu.memory_space<vmem>> -> memref<1x128x64xf32, #tpu.memory_space<vmem>>
        %dma_wait3A_312 = tpu.memref_squeeze %dma_wait3A_311 : memref<1x128x64xf32, #tpu.memory_space<vmem>> -> memref<128x64xf32, #tpu.memory_space<vmem>>
        %dma_wait3A_313 = arith.constant 0 : i32
        %dma_wait3A_314 = tpu.memref_slice %arg8[%add3A_140, %dma_wait3A_313] : memref<80x128xi32, #tpu.memory_space<vmem>> -> memref<1x128xi32, #tpu.memory_space<vmem>>
        %dma_wait3A_315 = tpu.memref_squeeze %dma_wait3A_314 : memref<1x128xi32, #tpu.memory_space<vmem>> -> memref<128xi32, #tpu.memory_space<vmem>>
        %dma_wait3A_316 = arith.constant 0 : i32
        %dma_wait3A_317 = arith.constant 0 : i32
        %dma_wait3A_318 = tpu.memref_slice %arg10[%dma_wait3A_316, %dma_wait3A_317] : memref<10232x64xf32, #tpu.memory_space<vmem_shared>> -> memref<10232x64xf32, #tpu.memory_space<vmem_shared>>
        tpu.wait_indirect_dma semaphore(%run_scoped3A_298 : memref<!tpu.dma_semaphore, #tpu.memory_space<semaphore_mem>>) src(%dma_wait3A_312 : memref<128x64xf32, #tpu.memory_space<vmem>>) dst(%dma_wait3A_318 : memref<10232x64xf32, #tpu.memory_space<vmem_shared>>)
        tpu.yield
      }) : () -> ()
      %add3A_153 = arith.constant 8 : i32
      %add3A_154 = arith.addi %add3A_140, %add3A_153 : i32
      %lt3A_155 = arith.constant 80 : i32
      %lt3A_156 = arith.cmpi slt, %add3A_154, %lt3A_155 : i32
      %convert_element_type3A_157 = arith.extui %lt3A_156 : i1 to i32
      %cond3A_158 = arith.constant 0 : i32
      %cond3A_159 = arith.cmpi ne, %convert_element_type3A_157, %cond3A_158 : i32
      scf.if %cond3A_159 {
        %dma_start3A_298 = arith.constant 1 : i32
        %dma_start3A_299 = arith.constant 0 : i32
        %dma_start3A_300 = arith.constant 0 : i32
        %dma_start3A_301 = tpu.memref_slice %arg9[%dma_start3A_298, %dma_start3A_299, %dma_start3A_300] : memref<8x128x64xf32, #tpu.memory_space<vmem>> -> memref<1x128x64xf32, #tpu.memory_space<vmem>>
        %dma_start3A_302 = tpu.memref_squeeze %dma_start3A_301 : memref<1x128x64xf32, #tpu.memory_space<vmem>> -> memref<128x64xf32, #tpu.memory_space<vmem>>
        %dma_start3A_303 = arith.constant 0 : i32
        %dma_start3A_304 = tpu.memref_slice %arg7[%add3A_154, %dma_start3A_303] : memref<80x128xi32, #tpu.memory_space<vmem>> -> memref<1x128xi32, #tpu.memory_space<vmem>>
        %dma_start3A_305 = tpu.memref_squeeze %dma_start3A_304 : memref<1x128xi32, #tpu.memory_space<vmem>> -> memref<128xi32, #tpu.memory_space<vmem>>
        %dma_start3A_306 = arith.constant 0 : i32
        %dma_start3A_307 = arith.constant 0 : i32
        %dma_start3A_308 = tpu.memref_slice %arg2[%dma_start3A_306, %dma_start3A_307] : memref<30000x64xf32, #tpu.memory_space<hbm>> -> memref<30000x64xf32, #tpu.memory_space<hbm>>
        tpu.enqueue_indirect_dma source(%dma_start3A_308 : memref<30000x64xf32, #tpu.memory_space<hbm>>) target(%dma_start3A_302 : memref<128x64xf32, #tpu.memory_space<vmem>>) offsets(%dma_start3A_305 : memref<128xi32, #tpu.memory_space<vmem>>) semaphore(%arg12 : memref<!tpu.dma_semaphore, #tpu.memory_space<semaphore_mem>>)
      } else {
      }
      %mul3A_160 = arith.constant 8 : i32
      %mul3A_161 = arith.muli %scan3A_117, %mul3A_160 : i32
      %add3A_162 = arith.constant 2 : i32
      %add3A_163 = arith.addi %mul3A_161, %add3A_162 : i32
      %dma_wait3A_164 = arith.constant 2 : i32
      %dma_wait3A_165 = arith.constant 0 : i32
      %dma_wait3A_166 = arith.constant 0 : i32
      %dma_wait3A_167 = tpu.memref_slice %arg9[%dma_wait3A_164, %dma_wait3A_165, %dma_wait3A_166] : memref<8x128x64xf32, #tpu.memory_space<vmem>> -> memref<1x128x64xf32, #tpu.memory_space<vmem>>
      %dma_wait3A_168 = tpu.memref_squeeze %dma_wait3A_167 : memref<1x128x64xf32, #tpu.memory_space<vmem>> -> memref<128x64xf32, #tpu.memory_space<vmem>>
      %dma_wait3A_169 = arith.constant 0 : i32
      %dma_wait3A_170 = tpu.memref_slice %arg7[%add3A_163, %dma_wait3A_169] : memref<80x128xi32, #tpu.memory_space<vmem>> -> memref<1x128xi32, #tpu.memory_space<vmem>>
      %dma_wait3A_171 = tpu.memref_squeeze %dma_wait3A_170 : memref<1x128xi32, #tpu.memory_space<vmem>> -> memref<128xi32, #tpu.memory_space<vmem>>
      %dma_wait3A_172 = arith.constant 0 : i32
      %dma_wait3A_173 = arith.constant 0 : i32
      %dma_wait3A_174 = tpu.memref_slice %arg2[%dma_wait3A_172, %dma_wait3A_173] : memref<30000x64xf32, #tpu.memory_space<hbm>> -> memref<30000x64xf32, #tpu.memory_space<hbm>>
      tpu.wait_indirect_dma semaphore(%arg13 : memref<!tpu.dma_semaphore, #tpu.memory_space<semaphore_mem>>) src(%dma_wait3A_174 : memref<30000x64xf32, #tpu.memory_space<hbm>>) dst(%dma_wait3A_168 : memref<128x64xf32, #tpu.memory_space<vmem>>)
      %run_scoped3A_175 = arith.constant 2 : i32
      "tpu.region"() ({
        %run_scoped3A_298 = tpu.sem_alloc : memref<!tpu.dma_semaphore, #tpu.memory_space<semaphore_mem>>
        %dma_start3A_299 = arith.constant 0 : i32
        %dma_start3A_300 = arith.constant 0 : i32
        %dma_start3A_301 = tpu.memref_slice %arg9[%run_scoped3A_175, %dma_start3A_299, %dma_start3A_300] : memref<8x128x64xf32, #tpu.memory_space<vmem>> -> memref<1x128x64xf32, #tpu.memory_space<vmem>>
        %dma_start3A_302 = tpu.memref_squeeze %dma_start3A_301 : memref<1x128x64xf32, #tpu.memory_space<vmem>> -> memref<128x64xf32, #tpu.memory_space<vmem>>
        %dma_start3A_303 = arith.constant 0 : i32
        %dma_start3A_304 = tpu.memref_slice %arg8[%add3A_163, %dma_start3A_303] : memref<80x128xi32, #tpu.memory_space<vmem>> -> memref<1x128xi32, #tpu.memory_space<vmem>>
        %dma_start3A_305 = tpu.memref_squeeze %dma_start3A_304 : memref<1x128xi32, #tpu.memory_space<vmem>> -> memref<128xi32, #tpu.memory_space<vmem>>
        %dma_start3A_306 = arith.constant 0 : i32
        %dma_start3A_307 = arith.constant 0 : i32
        %dma_start3A_308 = tpu.memref_slice %arg10[%dma_start3A_306, %dma_start3A_307] : memref<10232x64xf32, #tpu.memory_space<vmem_shared>> -> memref<10232x64xf32, #tpu.memory_space<vmem_shared>>
        tpu.enqueue_indirect_dma source(%dma_start3A_302 : memref<128x64xf32, #tpu.memory_space<vmem>>) target(%dma_start3A_308 : memref<10232x64xf32, #tpu.memory_space<vmem_shared>>) offsets(%dma_start3A_305 : memref<128xi32, #tpu.memory_space<vmem>>) semaphore(%run_scoped3A_298 : memref<!tpu.dma_semaphore, #tpu.memory_space<semaphore_mem>>) {add = true}
        %dma_wait3A_309 = arith.constant 0 : i32
        %dma_wait3A_310 = arith.constant 0 : i32
        %dma_wait3A_311 = tpu.memref_slice %arg9[%run_scoped3A_175, %dma_wait3A_309, %dma_wait3A_310] : memref<8x128x64xf32, #tpu.memory_space<vmem>> -> memref<1x128x64xf32, #tpu.memory_space<vmem>>
        %dma_wait3A_312 = tpu.memref_squeeze %dma_wait3A_311 : memref<1x128x64xf32, #tpu.memory_space<vmem>> -> memref<128x64xf32, #tpu.memory_space<vmem>>
        %dma_wait3A_313 = arith.constant 0 : i32
        %dma_wait3A_314 = tpu.memref_slice %arg8[%add3A_163, %dma_wait3A_313] : memref<80x128xi32, #tpu.memory_space<vmem>> -> memref<1x128xi32, #tpu.memory_space<vmem>>
        %dma_wait3A_315 = tpu.memref_squeeze %dma_wait3A_314 : memref<1x128xi32, #tpu.memory_space<vmem>> -> memref<128xi32, #tpu.memory_space<vmem>>
        %dma_wait3A_316 = arith.constant 0 : i32
        %dma_wait3A_317 = arith.constant 0 : i32
        %dma_wait3A_318 = tpu.memref_slice %arg10[%dma_wait3A_316, %dma_wait3A_317] : memref<10232x64xf32, #tpu.memory_space<vmem_shared>> -> memref<10232x64xf32, #tpu.memory_space<vmem_shared>>
        tpu.wait_indirect_dma semaphore(%run_scoped3A_298 : memref<!tpu.dma_semaphore, #tpu.memory_space<semaphore_mem>>) src(%dma_wait3A_312 : memref<128x64xf32, #tpu.memory_space<vmem>>) dst(%dma_wait3A_318 : memref<10232x64xf32, #tpu.memory_space<vmem_shared>>)
        tpu.yield
      }) : () -> ()
      %add3A_176 = arith.constant 8 : i32
      %add3A_177 = arith.addi %add3A_163, %add3A_176 : i32
      %lt3A_178 = arith.constant 80 : i32
      %lt3A_179 = arith.cmpi slt, %add3A_177, %lt3A_178 : i32
      %convert_element_type3A_180 = arith.extui %lt3A_179 : i1 to i32
      %cond3A_181 = arith.constant 0 : i32
      %cond3A_182 = arith.cmpi ne, %convert_element_type3A_180, %cond3A_181 : i32
      scf.if %cond3A_182 {
        %dma_start3A_298 = arith.constant 2 : i32
        %dma_start3A_299 = arith.constant 0 : i32
        %dma_start3A_300 = arith.constant 0 : i32
        %dma_start3A_301 = tpu.memref_slice %arg9[%dma_start3A_298, %dma_start3A_299, %dma_start3A_300] : memref<8x128x64xf32, #tpu.memory_space<vmem>> -> memref<1x128x64xf32, #tpu.memory_space<vmem>>
        %dma_start3A_302 = tpu.memref_squeeze %dma_start3A_301 : memref<1x128x64xf32, #tpu.memory_space<vmem>> -> memref<128x64xf32, #tpu.memory_space<vmem>>
        %dma_start3A_303 = arith.constant 0 : i32
        %dma_start3A_304 = tpu.memref_slice %arg7[%add3A_177, %dma_start3A_303] : memref<80x128xi32, #tpu.memory_space<vmem>> -> memref<1x128xi32, #tpu.memory_space<vmem>>
        %dma_start3A_305 = tpu.memref_squeeze %dma_start3A_304 : memref<1x128xi32, #tpu.memory_space<vmem>> -> memref<128xi32, #tpu.memory_space<vmem>>
        %dma_start3A_306 = arith.constant 0 : i32
        %dma_start3A_307 = arith.constant 0 : i32
        %dma_start3A_308 = tpu.memref_slice %arg2[%dma_start3A_306, %dma_start3A_307] : memref<30000x64xf32, #tpu.memory_space<hbm>> -> memref<30000x64xf32, #tpu.memory_space<hbm>>
        tpu.enqueue_indirect_dma source(%dma_start3A_308 : memref<30000x64xf32, #tpu.memory_space<hbm>>) target(%dma_start3A_302 : memref<128x64xf32, #tpu.memory_space<vmem>>) offsets(%dma_start3A_305 : memref<128xi32, #tpu.memory_space<vmem>>) semaphore(%arg13 : memref<!tpu.dma_semaphore, #tpu.memory_space<semaphore_mem>>)
      } else {
      }
      %mul3A_183 = arith.constant 8 : i32
      %mul3A_184 = arith.muli %scan3A_117, %mul3A_183 : i32
      %add3A_185 = arith.constant 3 : i32
      %add3A_186 = arith.addi %mul3A_184, %add3A_185 : i32
      %dma_wait3A_187 = arith.constant 3 : i32
      %dma_wait3A_188 = arith.constant 0 : i32
      %dma_wait3A_189 = arith.constant 0 : i32
      %dma_wait3A_190 = tpu.memref_slice %arg9[%dma_wait3A_187, %dma_wait3A_188, %dma_wait3A_189] : memref<8x128x64xf32, #tpu.memory_space<vmem>> -> memref<1x128x64xf32, #tpu.memory_space<vmem>>
      %dma_wait3A_191 = tpu.memref_squeeze %dma_wait3A_190 : memref<1x128x64xf32, #tpu.memory_space<vmem>> -> memref<128x64xf32, #tpu.memory_space<vmem>>
      %dma_wait3A_192 = arith.constant 0 : i32
      %dma_wait3A_193 = tpu.memref_slice %arg7[%add3A_186, %dma_wait3A_192] : memref<80x128xi32, #tpu.memory_space<vmem>> -> memref<1x128xi32, #tpu.memory_space<vmem>>
      %dma_wait3A_194 = tpu.memref_squeeze %dma_wait3A_193 : memref<1x128xi32, #tpu.memory_space<vmem>> -> memref<128xi32, #tpu.memory_space<vmem>>
      %dma_wait3A_195 = arith.constant 0 : i32
      %dma_wait3A_196 = arith.constant 0 : i32
      %dma_wait3A_197 = tpu.memref_slice %arg2[%dma_wait3A_195, %dma_wait3A_196] : memref<30000x64xf32, #tpu.memory_space<hbm>> -> memref<30000x64xf32, #tpu.memory_space<hbm>>
      tpu.wait_indirect_dma semaphore(%arg14 : memref<!tpu.dma_semaphore, #tpu.memory_space<semaphore_mem>>) src(%dma_wait3A_197 : memref<30000x64xf32, #tpu.memory_space<hbm>>) dst(%dma_wait3A_191 : memref<128x64xf32, #tpu.memory_space<vmem>>)
      %run_scoped3A_198 = arith.constant 3 : i32
      "tpu.region"() ({
        %run_scoped3A_298 = tpu.sem_alloc : memref<!tpu.dma_semaphore, #tpu.memory_space<semaphore_mem>>
        %dma_start3A_299 = arith.constant 0 : i32
        %dma_start3A_300 = arith.constant 0 : i32
        %dma_start3A_301 = tpu.memref_slice %arg9[%run_scoped3A_198, %dma_start3A_299, %dma_start3A_300] : memref<8x128x64xf32, #tpu.memory_space<vmem>> -> memref<1x128x64xf32, #tpu.memory_space<vmem>>
        %dma_start3A_302 = tpu.memref_squeeze %dma_start3A_301 : memref<1x128x64xf32, #tpu.memory_space<vmem>> -> memref<128x64xf32, #tpu.memory_space<vmem>>
        %dma_start3A_303 = arith.constant 0 : i32
        %dma_start3A_304 = tpu.memref_slice %arg8[%add3A_186, %dma_start3A_303] : memref<80x128xi32, #tpu.memory_space<vmem>> -> memref<1x128xi32, #tpu.memory_space<vmem>>
        %dma_start3A_305 = tpu.memref_squeeze %dma_start3A_304 : memref<1x128xi32, #tpu.memory_space<vmem>> -> memref<128xi32, #tpu.memory_space<vmem>>
        %dma_start3A_306 = arith.constant 0 : i32
        %dma_start3A_307 = arith.constant 0 : i32
        %dma_start3A_308 = tpu.memref_slice %arg10[%dma_start3A_306, %dma_start3A_307] : memref<10232x64xf32, #tpu.memory_space<vmem_shared>> -> memref<10232x64xf32, #tpu.memory_space<vmem_shared>>
        tpu.enqueue_indirect_dma source(%dma_start3A_302 : memref<128x64xf32, #tpu.memory_space<vmem>>) target(%dma_start3A_308 : memref<10232x64xf32, #tpu.memory_space<vmem_shared>>) offsets(%dma_start3A_305 : memref<128xi32, #tpu.memory_space<vmem>>) semaphore(%run_scoped3A_298 : memref<!tpu.dma_semaphore, #tpu.memory_space<semaphore_mem>>) {add = true}
        %dma_wait3A_309 = arith.constant 0 : i32
        %dma_wait3A_310 = arith.constant 0 : i32
        %dma_wait3A_311 = tpu.memref_slice %arg9[%run_scoped3A_198, %dma_wait3A_309, %dma_wait3A_310] : memref<8x128x64xf32, #tpu.memory_space<vmem>> -> memref<1x128x64xf32, #tpu.memory_space<vmem>>
        %dma_wait3A_312 = tpu.memref_squeeze %dma_wait3A_311 : memref<1x128x64xf32, #tpu.memory_space<vmem>> -> memref<128x64xf32, #tpu.memory_space<vmem>>
        %dma_wait3A_313 = arith.constant 0 : i32
        %dma_wait3A_314 = tpu.memref_slice %arg8[%add3A_186, %dma_wait3A_313] : memref<80x128xi32, #tpu.memory_space<vmem>> -> memref<1x128xi32, #tpu.memory_space<vmem>>
        %dma_wait3A_315 = tpu.memref_squeeze %dma_wait3A_314 : memref<1x128xi32, #tpu.memory_space<vmem>> -> memref<128xi32, #tpu.memory_space<vmem>>
        %dma_wait3A_316 = arith.constant 0 : i32
        %dma_wait3A_317 = arith.constant 0 : i32
        %dma_wait3A_318 = tpu.memref_slice %arg10[%dma_wait3A_316, %dma_wait3A_317] : memref<10232x64xf32, #tpu.memory_space<vmem_shared>> -> memref<10232x64xf32, #tpu.memory_space<vmem_shared>>
        tpu.wait_indirect_dma semaphore(%run_scoped3A_298 : memref<!tpu.dma_semaphore, #tpu.memory_space<semaphore_mem>>) src(%dma_wait3A_312 : memref<128x64xf32, #tpu.memory_space<vmem>>) dst(%dma_wait3A_318 : memref<10232x64xf32, #tpu.memory_space<vmem_shared>>)
        tpu.yield
      }) : () -> ()
      %add3A_199 = arith.constant 8 : i32
      %add3A_200 = arith.addi %add3A_186, %add3A_199 : i32
      %lt3A_201 = arith.constant 80 : i32
      %lt3A_202 = arith.cmpi slt, %add3A_200, %lt3A_201 : i32
      %convert_element_type3A_203 = arith.extui %lt3A_202 : i1 to i32
      %cond3A_204 = arith.constant 0 : i32
      %cond3A_205 = arith.cmpi ne, %convert_element_type3A_203, %cond3A_204 : i32
      scf.if %cond3A_205 {
        %dma_start3A_298 = arith.constant 3 : i32
        %dma_start3A_299 = arith.constant 0 : i32
        %dma_start3A_300 = arith.constant 0 : i32
        %dma_start3A_301 = tpu.memref_slice %arg9[%dma_start3A_298, %dma_start3A_299, %dma_start3A_300] : memref<8x128x64xf32, #tpu.memory_space<vmem>> -> memref<1x128x64xf32, #tpu.memory_space<vmem>>
        %dma_start3A_302 = tpu.memref_squeeze %dma_start3A_301 : memref<1x128x64xf32, #tpu.memory_space<vmem>> -> memref<128x64xf32, #tpu.memory_space<vmem>>
        %dma_start3A_303 = arith.constant 0 : i32
        %dma_start3A_304 = tpu.memref_slice %arg7[%add3A_200, %dma_start3A_303] : memref<80x128xi32, #tpu.memory_space<vmem>> -> memref<1x128xi32, #tpu.memory_space<vmem>>
        %dma_start3A_305 = tpu.memref_squeeze %dma_start3A_304 : memref<1x128xi32, #tpu.memory_space<vmem>> -> memref<128xi32, #tpu.memory_space<vmem>>
        %dma_start3A_306 = arith.constant 0 : i32
        %dma_start3A_307 = arith.constant 0 : i32
        %dma_start3A_308 = tpu.memref_slice %arg2[%dma_start3A_306, %dma_start3A_307] : memref<30000x64xf32, #tpu.memory_space<hbm>> -> memref<30000x64xf32, #tpu.memory_space<hbm>>
        tpu.enqueue_indirect_dma source(%dma_start3A_308 : memref<30000x64xf32, #tpu.memory_space<hbm>>) target(%dma_start3A_302 : memref<128x64xf32, #tpu.memory_space<vmem>>) offsets(%dma_start3A_305 : memref<128xi32, #tpu.memory_space<vmem>>) semaphore(%arg14 : memref<!tpu.dma_semaphore, #tpu.memory_space<semaphore_mem>>)
      } else {
      }
      %mul3A_206 = arith.constant 8 : i32
      %mul3A_207 = arith.muli %scan3A_117, %mul3A_206 : i32
      %add3A_208 = arith.constant 4 : i32
      %add3A_209 = arith.addi %mul3A_207, %add3A_208 : i32
      %dma_wait3A_210 = arith.constant 4 : i32
      %dma_wait3A_211 = arith.constant 0 : i32
      %dma_wait3A_212 = arith.constant 0 : i32
      %dma_wait3A_213 = tpu.memref_slice %arg9[%dma_wait3A_210, %dma_wait3A_211, %dma_wait3A_212] : memref<8x128x64xf32, #tpu.memory_space<vmem>> -> memref<1x128x64xf32, #tpu.memory_space<vmem>>
      %dma_wait3A_214 = tpu.memref_squeeze %dma_wait3A_213 : memref<1x128x64xf32, #tpu.memory_space<vmem>> -> memref<128x64xf32, #tpu.memory_space<vmem>>
      %dma_wait3A_215 = arith.constant 0 : i32
      %dma_wait3A_216 = tpu.memref_slice %arg7[%add3A_209, %dma_wait3A_215] : memref<80x128xi32, #tpu.memory_space<vmem>> -> memref<1x128xi32, #tpu.memory_space<vmem>>
      %dma_wait3A_217 = tpu.memref_squeeze %dma_wait3A_216 : memref<1x128xi32, #tpu.memory_space<vmem>> -> memref<128xi32, #tpu.memory_space<vmem>>
      %dma_wait3A_218 = arith.constant 0 : i32
      %dma_wait3A_219 = arith.constant 0 : i32
      %dma_wait3A_220 = tpu.memref_slice %arg2[%dma_wait3A_218, %dma_wait3A_219] : memref<30000x64xf32, #tpu.memory_space<hbm>> -> memref<30000x64xf32, #tpu.memory_space<hbm>>
      tpu.wait_indirect_dma semaphore(%arg15 : memref<!tpu.dma_semaphore, #tpu.memory_space<semaphore_mem>>) src(%dma_wait3A_220 : memref<30000x64xf32, #tpu.memory_space<hbm>>) dst(%dma_wait3A_214 : memref<128x64xf32, #tpu.memory_space<vmem>>)
      %run_scoped3A_221 = arith.constant 4 : i32
      "tpu.region"() ({
        %run_scoped3A_298 = tpu.sem_alloc : memref<!tpu.dma_semaphore, #tpu.memory_space<semaphore_mem>>
        %dma_start3A_299 = arith.constant 0 : i32
        %dma_start3A_300 = arith.constant 0 : i32
        %dma_start3A_301 = tpu.memref_slice %arg9[%run_scoped3A_221, %dma_start3A_299, %dma_start3A_300] : memref<8x128x64xf32, #tpu.memory_space<vmem>> -> memref<1x128x64xf32, #tpu.memory_space<vmem>>
        %dma_start3A_302 = tpu.memref_squeeze %dma_start3A_301 : memref<1x128x64xf32, #tpu.memory_space<vmem>> -> memref<128x64xf32, #tpu.memory_space<vmem>>
        %dma_start3A_303 = arith.constant 0 : i32
        %dma_start3A_304 = tpu.memref_slice %arg8[%add3A_209, %dma_start3A_303] : memref<80x128xi32, #tpu.memory_space<vmem>> -> memref<1x128xi32, #tpu.memory_space<vmem>>
        %dma_start3A_305 = tpu.memref_squeeze %dma_start3A_304 : memref<1x128xi32, #tpu.memory_space<vmem>> -> memref<128xi32, #tpu.memory_space<vmem>>
        %dma_start3A_306 = arith.constant 0 : i32
        %dma_start3A_307 = arith.constant 0 : i32
        %dma_start3A_308 = tpu.memref_slice %arg10[%dma_start3A_306, %dma_start3A_307] : memref<10232x64xf32, #tpu.memory_space<vmem_shared>> -> memref<10232x64xf32, #tpu.memory_space<vmem_shared>>
        tpu.enqueue_indirect_dma source(%dma_start3A_302 : memref<128x64xf32, #tpu.memory_space<vmem>>) target(%dma_start3A_308 : memref<10232x64xf32, #tpu.memory_space<vmem_shared>>) offsets(%dma_start3A_305 : memref<128xi32, #tpu.memory_space<vmem>>) semaphore(%run_scoped3A_298 : memref<!tpu.dma_semaphore, #tpu.memory_space<semaphore_mem>>) {add = true}
        %dma_wait3A_309 = arith.constant 0 : i32
        %dma_wait3A_310 = arith.constant 0 : i32
        %dma_wait3A_311 = tpu.memref_slice %arg9[%run_scoped3A_221, %dma_wait3A_309, %dma_wait3A_310] : memref<8x128x64xf32, #tpu.memory_space<vmem>> -> memref<1x128x64xf32, #tpu.memory_space<vmem>>
        %dma_wait3A_312 = tpu.memref_squeeze %dma_wait3A_311 : memref<1x128x64xf32, #tpu.memory_space<vmem>> -> memref<128x64xf32, #tpu.memory_space<vmem>>
        %dma_wait3A_313 = arith.constant 0 : i32
        %dma_wait3A_314 = tpu.memref_slice %arg8[%add3A_209, %dma_wait3A_313] : memref<80x128xi32, #tpu.memory_space<vmem>> -> memref<1x128xi32, #tpu.memory_space<vmem>>
        %dma_wait3A_315 = tpu.memref_squeeze %dma_wait3A_314 : memref<1x128xi32, #tpu.memory_space<vmem>> -> memref<128xi32, #tpu.memory_space<vmem>>
        %dma_wait3A_316 = arith.constant 0 : i32
        %dma_wait3A_317 = arith.constant 0 : i32
        %dma_wait3A_318 = tpu.memref_slice %arg10[%dma_wait3A_316, %dma_wait3A_317] : memref<10232x64xf32, #tpu.memory_space<vmem_shared>> -> memref<10232x64xf32, #tpu.memory_space<vmem_shared>>
        tpu.wait_indirect_dma semaphore(%run_scoped3A_298 : memref<!tpu.dma_semaphore, #tpu.memory_space<semaphore_mem>>) src(%dma_wait3A_312 : memref<128x64xf32, #tpu.memory_space<vmem>>) dst(%dma_wait3A_318 : memref<10232x64xf32, #tpu.memory_space<vmem_shared>>)
        tpu.yield
      }) : () -> ()
      %add3A_222 = arith.constant 8 : i32
      %add3A_223 = arith.addi %add3A_209, %add3A_222 : i32
      %lt3A_224 = arith.constant 80 : i32
      %lt3A_225 = arith.cmpi slt, %add3A_223, %lt3A_224 : i32
      %convert_element_type3A_226 = arith.extui %lt3A_225 : i1 to i32
      %cond3A_227 = arith.constant 0 : i32
      %cond3A_228 = arith.cmpi ne, %convert_element_type3A_226, %cond3A_227 : i32
      scf.if %cond3A_228 {
        %dma_start3A_298 = arith.constant 4 : i32
        %dma_start3A_299 = arith.constant 0 : i32
        %dma_start3A_300 = arith.constant 0 : i32
        %dma_start3A_301 = tpu.memref_slice %arg9[%dma_start3A_298, %dma_start3A_299, %dma_start3A_300] : memref<8x128x64xf32, #tpu.memory_space<vmem>> -> memref<1x128x64xf32, #tpu.memory_space<vmem>>
        %dma_start3A_302 = tpu.memref_squeeze %dma_start3A_301 : memref<1x128x64xf32, #tpu.memory_space<vmem>> -> memref<128x64xf32, #tpu.memory_space<vmem>>
        %dma_start3A_303 = arith.constant 0 : i32
        %dma_start3A_304 = tpu.memref_slice %arg7[%add3A_223, %dma_start3A_303] : memref<80x128xi32, #tpu.memory_space<vmem>> -> memref<1x128xi32, #tpu.memory_space<vmem>>
        %dma_start3A_305 = tpu.memref_squeeze %dma_start3A_304 : memref<1x128xi32, #tpu.memory_space<vmem>> -> memref<128xi32, #tpu.memory_space<vmem>>
        %dma_start3A_306 = arith.constant 0 : i32
        %dma_start3A_307 = arith.constant 0 : i32
        %dma_start3A_308 = tpu.memref_slice %arg2[%dma_start3A_306, %dma_start3A_307] : memref<30000x64xf32, #tpu.memory_space<hbm>> -> memref<30000x64xf32, #tpu.memory_space<hbm>>
        tpu.enqueue_indirect_dma source(%dma_start3A_308 : memref<30000x64xf32, #tpu.memory_space<hbm>>) target(%dma_start3A_302 : memref<128x64xf32, #tpu.memory_space<vmem>>) offsets(%dma_start3A_305 : memref<128xi32, #tpu.memory_space<vmem>>) semaphore(%arg15 : memref<!tpu.dma_semaphore, #tpu.memory_space<semaphore_mem>>)
      } else {
      }
      %mul3A_229 = arith.constant 8 : i32
      %mul3A_230 = arith.muli %scan3A_117, %mul3A_229 : i32
      %add3A_231 = arith.constant 5 : i32
      %add3A_232 = arith.addi %mul3A_230, %add3A_231 : i32
      %dma_wait3A_233 = arith.constant 5 : i32
      %dma_wait3A_234 = arith.constant 0 : i32
      %dma_wait3A_235 = arith.constant 0 : i32
      %dma_wait3A_236 = tpu.memref_slice %arg9[%dma_wait3A_233, %dma_wait3A_234, %dma_wait3A_235] : memref<8x128x64xf32, #tpu.memory_space<vmem>> -> memref<1x128x64xf32, #tpu.memory_space<vmem>>
      %dma_wait3A_237 = tpu.memref_squeeze %dma_wait3A_236 : memref<1x128x64xf32, #tpu.memory_space<vmem>> -> memref<128x64xf32, #tpu.memory_space<vmem>>
      %dma_wait3A_238 = arith.constant 0 : i32
      %dma_wait3A_239 = tpu.memref_slice %arg7[%add3A_232, %dma_wait3A_238] : memref<80x128xi32, #tpu.memory_space<vmem>> -> memref<1x128xi32, #tpu.memory_space<vmem>>
      %dma_wait3A_240 = tpu.memref_squeeze %dma_wait3A_239 : memref<1x128xi32, #tpu.memory_space<vmem>> -> memref<128xi32, #tpu.memory_space<vmem>>
      %dma_wait3A_241 = arith.constant 0 : i32
      %dma_wait3A_242 = arith.constant 0 : i32
      %dma_wait3A_243 = tpu.memref_slice %arg2[%dma_wait3A_241, %dma_wait3A_242] : memref<30000x64xf32, #tpu.memory_space<hbm>> -> memref<30000x64xf32, #tpu.memory_space<hbm>>
      tpu.wait_indirect_dma semaphore(%arg16 : memref<!tpu.dma_semaphore, #tpu.memory_space<semaphore_mem>>) src(%dma_wait3A_243 : memref<30000x64xf32, #tpu.memory_space<hbm>>) dst(%dma_wait3A_237 : memref<128x64xf32, #tpu.memory_space<vmem>>)
      %run_scoped3A_244 = arith.constant 5 : i32
      "tpu.region"() ({
        %run_scoped3A_298 = tpu.sem_alloc : memref<!tpu.dma_semaphore, #tpu.memory_space<semaphore_mem>>
        %dma_start3A_299 = arith.constant 0 : i32
        %dma_start3A_300 = arith.constant 0 : i32
        %dma_start3A_301 = tpu.memref_slice %arg9[%run_scoped3A_244, %dma_start3A_299, %dma_start3A_300] : memref<8x128x64xf32, #tpu.memory_space<vmem>> -> memref<1x128x64xf32, #tpu.memory_space<vmem>>
        %dma_start3A_302 = tpu.memref_squeeze %dma_start3A_301 : memref<1x128x64xf32, #tpu.memory_space<vmem>> -> memref<128x64xf32, #tpu.memory_space<vmem>>
        %dma_start3A_303 = arith.constant 0 : i32
        %dma_start3A_304 = tpu.memref_slice %arg8[%add3A_232, %dma_start3A_303] : memref<80x128xi32, #tpu.memory_space<vmem>> -> memref<1x128xi32, #tpu.memory_space<vmem>>
        %dma_start3A_305 = tpu.memref_squeeze %dma_start3A_304 : memref<1x128xi32, #tpu.memory_space<vmem>> -> memref<128xi32, #tpu.memory_space<vmem>>
        %dma_start3A_306 = arith.constant 0 : i32
        %dma_start3A_307 = arith.constant 0 : i32
        %dma_start3A_308 = tpu.memref_slice %arg10[%dma_start3A_306, %dma_start3A_307] : memref<10232x64xf32, #tpu.memory_space<vmem_shared>> -> memref<10232x64xf32, #tpu.memory_space<vmem_shared>>
        tpu.enqueue_indirect_dma source(%dma_start3A_302 : memref<128x64xf32, #tpu.memory_space<vmem>>) target(%dma_start3A_308 : memref<10232x64xf32, #tpu.memory_space<vmem_shared>>) offsets(%dma_start3A_305 : memref<128xi32, #tpu.memory_space<vmem>>) semaphore(%run_scoped3A_298 : memref<!tpu.dma_semaphore, #tpu.memory_space<semaphore_mem>>) {add = true}
        %dma_wait3A_309 = arith.constant 0 : i32
        %dma_wait3A_310 = arith.constant 0 : i32
        %dma_wait3A_311 = tpu.memref_slice %arg9[%run_scoped3A_244, %dma_wait3A_309, %dma_wait3A_310] : memref<8x128x64xf32, #tpu.memory_space<vmem>> -> memref<1x128x64xf32, #tpu.memory_space<vmem>>
        %dma_wait3A_312 = tpu.memref_squeeze %dma_wait3A_311 : memref<1x128x64xf32, #tpu.memory_space<vmem>> -> memref<128x64xf32, #tpu.memory_space<vmem>>
        %dma_wait3A_313 = arith.constant 0 : i32
        %dma_wait3A_314 = tpu.memref_slice %arg8[%add3A_232, %dma_wait3A_313] : memref<80x128xi32, #tpu.memory_space<vmem>> -> memref<1x128xi32, #tpu.memory_space<vmem>>
        %dma_wait3A_315 = tpu.memref_squeeze %dma_wait3A_314 : memref<1x128xi32, #tpu.memory_space<vmem>> -> memref<128xi32, #tpu.memory_space<vmem>>
        %dma_wait3A_316 = arith.constant 0 : i32
        %dma_wait3A_317 = arith.constant 0 : i32
        %dma_wait3A_318 = tpu.memref_slice %arg10[%dma_wait3A_316, %dma_wait3A_317] : memref<10232x64xf32, #tpu.memory_space<vmem_shared>> -> memref<10232x64xf32, #tpu.memory_space<vmem_shared>>
        tpu.wait_indirect_dma semaphore(%run_scoped3A_298 : memref<!tpu.dma_semaphore, #tpu.memory_space<semaphore_mem>>) src(%dma_wait3A_312 : memref<128x64xf32, #tpu.memory_space<vmem>>) dst(%dma_wait3A_318 : memref<10232x64xf32, #tpu.memory_space<vmem_shared>>)
        tpu.yield
      }) : () -> ()
      %add3A_245 = arith.constant 8 : i32
      %add3A_246 = arith.addi %add3A_232, %add3A_245 : i32
      %lt3A_247 = arith.constant 80 : i32
      %lt3A_248 = arith.cmpi slt, %add3A_246, %lt3A_247 : i32
      %convert_element_type3A_249 = arith.extui %lt3A_248 : i1 to i32
      %cond3A_250 = arith.constant 0 : i32
      %cond3A_251 = arith.cmpi ne, %convert_element_type3A_249, %cond3A_250 : i32
      scf.if %cond3A_251 {
        %dma_start3A_298 = arith.constant 5 : i32
        %dma_start3A_299 = arith.constant 0 : i32
        %dma_start3A_300 = arith.constant 0 : i32
        %dma_start3A_301 = tpu.memref_slice %arg9[%dma_start3A_298, %dma_start3A_299, %dma_start3A_300] : memref<8x128x64xf32, #tpu.memory_space<vmem>> -> memref<1x128x64xf32, #tpu.memory_space<vmem>>
        %dma_start3A_302 = tpu.memref_squeeze %dma_start3A_301 : memref<1x128x64xf32, #tpu.memory_space<vmem>> -> memref<128x64xf32, #tpu.memory_space<vmem>>
        %dma_start3A_303 = arith.constant 0 : i32
        %dma_start3A_304 = tpu.memref_slice %arg7[%add3A_246, %dma_start3A_303] : memref<80x128xi32, #tpu.memory_space<vmem>> -> memref<1x128xi32, #tpu.memory_space<vmem>>
        %dma_start3A_305 = tpu.memref_squeeze %dma_start3A_304 : memref<1x128xi32, #tpu.memory_space<vmem>> -> memref<128xi32, #tpu.memory_space<vmem>>
        %dma_start3A_306 = arith.constant 0 : i32
        %dma_start3A_307 = arith.constant 0 : i32
        %dma_start3A_308 = tpu.memref_slice %arg2[%dma_start3A_306, %dma_start3A_307] : memref<30000x64xf32, #tpu.memory_space<hbm>> -> memref<30000x64xf32, #tpu.memory_space<hbm>>
        tpu.enqueue_indirect_dma source(%dma_start3A_308 : memref<30000x64xf32, #tpu.memory_space<hbm>>) target(%dma_start3A_302 : memref<128x64xf32, #tpu.memory_space<vmem>>) offsets(%dma_start3A_305 : memref<128xi32, #tpu.memory_space<vmem>>) semaphore(%arg16 : memref<!tpu.dma_semaphore, #tpu.memory_space<semaphore_mem>>)
      } else {
      }
      %mul3A_252 = arith.constant 8 : i32
      %mul3A_253 = arith.muli %scan3A_117, %mul3A_252 : i32
      %add3A_254 = arith.constant 6 : i32
      %add3A_255 = arith.addi %mul3A_253, %add3A_254 : i32
      %dma_wait3A_256 = arith.constant 6 : i32
      %dma_wait3A_257 = arith.constant 0 : i32
      %dma_wait3A_258 = arith.constant 0 : i32
      %dma_wait3A_259 = tpu.memref_slice %arg9[%dma_wait3A_256, %dma_wait3A_257, %dma_wait3A_258] : memref<8x128x64xf32, #tpu.memory_space<vmem>> -> memref<1x128x64xf32, #tpu.memory_space<vmem>>
      %dma_wait3A_260 = tpu.memref_squeeze %dma_wait3A_259 : memref<1x128x64xf32, #tpu.memory_space<vmem>> -> memref<128x64xf32, #tpu.memory_space<vmem>>
      %dma_wait3A_261 = arith.constant 0 : i32
      %dma_wait3A_262 = tpu.memref_slice %arg7[%add3A_255, %dma_wait3A_261] : memref<80x128xi32, #tpu.memory_space<vmem>> -> memref<1x128xi32, #tpu.memory_space<vmem>>
      %dma_wait3A_263 = tpu.memref_squeeze %dma_wait3A_262 : memref<1x128xi32, #tpu.memory_space<vmem>> -> memref<128xi32, #tpu.memory_space<vmem>>
      %dma_wait3A_264 = arith.constant 0 : i32
      %dma_wait3A_265 = arith.constant 0 : i32
      %dma_wait3A_266 = tpu.memref_slice %arg2[%dma_wait3A_264, %dma_wait3A_265] : memref<30000x64xf32, #tpu.memory_space<hbm>> -> memref<30000x64xf32, #tpu.memory_space<hbm>>
      tpu.wait_indirect_dma semaphore(%arg17 : memref<!tpu.dma_semaphore, #tpu.memory_space<semaphore_mem>>) src(%dma_wait3A_266 : memref<30000x64xf32, #tpu.memory_space<hbm>>) dst(%dma_wait3A_260 : memref<128x64xf32, #tpu.memory_space<vmem>>)
      %run_scoped3A_267 = arith.constant 6 : i32
      "tpu.region"() ({
        %run_scoped3A_298 = tpu.sem_alloc : memref<!tpu.dma_semaphore, #tpu.memory_space<semaphore_mem>>
        %dma_start3A_299 = arith.constant 0 : i32
        %dma_start3A_300 = arith.constant 0 : i32
        %dma_start3A_301 = tpu.memref_slice %arg9[%run_scoped3A_267, %dma_start3A_299, %dma_start3A_300] : memref<8x128x64xf32, #tpu.memory_space<vmem>> -> memref<1x128x64xf32, #tpu.memory_space<vmem>>
        %dma_start3A_302 = tpu.memref_squeeze %dma_start3A_301 : memref<1x128x64xf32, #tpu.memory_space<vmem>> -> memref<128x64xf32, #tpu.memory_space<vmem>>
        %dma_start3A_303 = arith.constant 0 : i32
        %dma_start3A_304 = tpu.memref_slice %arg8[%add3A_255, %dma_start3A_303] : memref<80x128xi32, #tpu.memory_space<vmem>> -> memref<1x128xi32, #tpu.memory_space<vmem>>
        %dma_start3A_305 = tpu.memref_squeeze %dma_start3A_304 : memref<1x128xi32, #tpu.memory_space<vmem>> -> memref<128xi32, #tpu.memory_space<vmem>>
        %dma_start3A_306 = arith.constant 0 : i32
        %dma_start3A_307 = arith.constant 0 : i32
        %dma_start3A_308 = tpu.memref_slice %arg10[%dma_start3A_306, %dma_start3A_307] : memref<10232x64xf32, #tpu.memory_space<vmem_shared>> -> memref<10232x64xf32, #tpu.memory_space<vmem_shared>>
        tpu.enqueue_indirect_dma source(%dma_start3A_302 : memref<128x64xf32, #tpu.memory_space<vmem>>) target(%dma_start3A_308 : memref<10232x64xf32, #tpu.memory_space<vmem_shared>>) offsets(%dma_start3A_305 : memref<128xi32, #tpu.memory_space<vmem>>) semaphore(%run_scoped3A_298 : memref<!tpu.dma_semaphore, #tpu.memory_space<semaphore_mem>>) {add = true}
        %dma_wait3A_309 = arith.constant 0 : i32
        %dma_wait3A_310 = arith.constant 0 : i32
        %dma_wait3A_311 = tpu.memref_slice %arg9[%run_scoped3A_267, %dma_wait3A_309, %dma_wait3A_310] : memref<8x128x64xf32, #tpu.memory_space<vmem>> -> memref<1x128x64xf32, #tpu.memory_space<vmem>>
        %dma_wait3A_312 = tpu.memref_squeeze %dma_wait3A_311 : memref<1x128x64xf32, #tpu.memory_space<vmem>> -> memref<128x64xf32, #tpu.memory_space<vmem>>
        %dma_wait3A_313 = arith.constant 0 : i32
        %dma_wait3A_314 = tpu.memref_slice %arg8[%add3A_255, %dma_wait3A_313] : memref<80x128xi32, #tpu.memory_space<vmem>> -> memref<1x128xi32, #tpu.memory_space<vmem>>
        %dma_wait3A_315 = tpu.memref_squeeze %dma_wait3A_314 : memref<1x128xi32, #tpu.memory_space<vmem>> -> memref<128xi32, #tpu.memory_space<vmem>>
        %dma_wait3A_316 = arith.constant 0 : i32
        %dma_wait3A_317 = arith.constant 0 : i32
        %dma_wait3A_318 = tpu.memref_slice %arg10[%dma_wait3A_316, %dma_wait3A_317] : memref<10232x64xf32, #tpu.memory_space<vmem_shared>> -> memref<10232x64xf32, #tpu.memory_space<vmem_shared>>
        tpu.wait_indirect_dma semaphore(%run_scoped3A_298 : memref<!tpu.dma_semaphore, #tpu.memory_space<semaphore_mem>>) src(%dma_wait3A_312 : memref<128x64xf32, #tpu.memory_space<vmem>>) dst(%dma_wait3A_318 : memref<10232x64xf32, #tpu.memory_space<vmem_shared>>)
        tpu.yield
      }) : () -> ()
      %add3A_268 = arith.constant 8 : i32
      %add3A_269 = arith.addi %add3A_255, %add3A_268 : i32
      %lt3A_270 = arith.constant 80 : i32
      %lt3A_271 = arith.cmpi slt, %add3A_269, %lt3A_270 : i32
      %convert_element_type3A_272 = arith.extui %lt3A_271 : i1 to i32
      %cond3A_273 = arith.constant 0 : i32
      %cond3A_274 = arith.cmpi ne, %convert_element_type3A_272, %cond3A_273 : i32
      scf.if %cond3A_274 {
        %dma_start3A_298 = arith.constant 6 : i32
        %dma_start3A_299 = arith.constant 0 : i32
        %dma_start3A_300 = arith.constant 0 : i32
        %dma_start3A_301 = tpu.memref_slice %arg9[%dma_start3A_298, %dma_start3A_299, %dma_start3A_300] : memref<8x128x64xf32, #tpu.memory_space<vmem>> -> memref<1x128x64xf32, #tpu.memory_space<vmem>>
        %dma_start3A_302 = tpu.memref_squeeze %dma_start3A_301 : memref<1x128x64xf32, #tpu.memory_space<vmem>> -> memref<128x64xf32, #tpu.memory_space<vmem>>
        %dma_start3A_303 = arith.constant 0 : i32
        %dma_start3A_304 = tpu.memref_slice %arg7[%add3A_269, %dma_start3A_303] : memref<80x128xi32, #tpu.memory_space<vmem>> -> memref<1x128xi32, #tpu.memory_space<vmem>>
        %dma_start3A_305 = tpu.memref_squeeze %dma_start3A_304 : memref<1x128xi32, #tpu.memory_space<vmem>> -> memref<128xi32, #tpu.memory_space<vmem>>
        %dma_start3A_306 = arith.constant 0 : i32
        %dma_start3A_307 = arith.constant 0 : i32
        %dma_start3A_308 = tpu.memref_slice %arg2[%dma_start3A_306, %dma_start3A_307] : memref<30000x64xf32, #tpu.memory_space<hbm>> -> memref<30000x64xf32, #tpu.memory_space<hbm>>
        tpu.enqueue_indirect_dma source(%dma_start3A_308 : memref<30000x64xf32, #tpu.memory_space<hbm>>) target(%dma_start3A_302 : memref<128x64xf32, #tpu.memory_space<vmem>>) offsets(%dma_start3A_305 : memref<128xi32, #tpu.memory_space<vmem>>) semaphore(%arg17 : memref<!tpu.dma_semaphore, #tpu.memory_space<semaphore_mem>>)
      } else {
      }
      %mul3A_275 = arith.constant 8 : i32
      %mul3A_276 = arith.muli %scan3A_117, %mul3A_275 : i32
      %add3A_277 = arith.constant 7 : i32
      %add3A_278 = arith.addi %mul3A_276, %add3A_277 : i32
      %dma_wait3A_279 = arith.constant 7 : i32
      %dma_wait3A_280 = arith.constant 0 : i32
      %dma_wait3A_281 = arith.constant 0 : i32
      %dma_wait3A_282 = tpu.memref_slice %arg9[%dma_wait3A_279, %dma_wait3A_280, %dma_wait3A_281] : memref<8x128x64xf32, #tpu.memory_space<vmem>> -> memref<1x128x64xf32, #tpu.memory_space<vmem>>
      %dma_wait3A_283 = tpu.memref_squeeze %dma_wait3A_282 : memref<1x128x64xf32, #tpu.memory_space<vmem>> -> memref<128x64xf32, #tpu.memory_space<vmem>>
      %dma_wait3A_284 = arith.constant 0 : i32
      %dma_wait3A_285 = tpu.memref_slice %arg7[%add3A_278, %dma_wait3A_284] : memref<80x128xi32, #tpu.memory_space<vmem>> -> memref<1x128xi32, #tpu.memory_space<vmem>>
      %dma_wait3A_286 = tpu.memref_squeeze %dma_wait3A_285 : memref<1x128xi32, #tpu.memory_space<vmem>> -> memref<128xi32, #tpu.memory_space<vmem>>
      %dma_wait3A_287 = arith.constant 0 : i32
      %dma_wait3A_288 = arith.constant 0 : i32
      %dma_wait3A_289 = tpu.memref_slice %arg2[%dma_wait3A_287, %dma_wait3A_288] : memref<30000x64xf32, #tpu.memory_space<hbm>> -> memref<30000x64xf32, #tpu.memory_space<hbm>>
      tpu.wait_indirect_dma semaphore(%arg18 : memref<!tpu.dma_semaphore, #tpu.memory_space<semaphore_mem>>) src(%dma_wait3A_289 : memref<30000x64xf32, #tpu.memory_space<hbm>>) dst(%dma_wait3A_283 : memref<128x64xf32, #tpu.memory_space<vmem>>)
      %run_scoped3A_290 = arith.constant 7 : i32
      "tpu.region"() ({
        %run_scoped3A_298 = tpu.sem_alloc : memref<!tpu.dma_semaphore, #tpu.memory_space<semaphore_mem>>
        %dma_start3A_299 = arith.constant 0 : i32
        %dma_start3A_300 = arith.constant 0 : i32
        %dma_start3A_301 = tpu.memref_slice %arg9[%run_scoped3A_290, %dma_start3A_299, %dma_start3A_300] : memref<8x128x64xf32, #tpu.memory_space<vmem>> -> memref<1x128x64xf32, #tpu.memory_space<vmem>>
        %dma_start3A_302 = tpu.memref_squeeze %dma_start3A_301 : memref<1x128x64xf32, #tpu.memory_space<vmem>> -> memref<128x64xf32, #tpu.memory_space<vmem>>
        %dma_start3A_303 = arith.constant 0 : i32
        %dma_start3A_304 = tpu.memref_slice %arg8[%add3A_278, %dma_start3A_303] : memref<80x128xi32, #tpu.memory_space<vmem>> -> memref<1x128xi32, #tpu.memory_space<vmem>>
        %dma_start3A_305 = tpu.memref_squeeze %dma_start3A_304 : memref<1x128xi32, #tpu.memory_space<vmem>> -> memref<128xi32, #tpu.memory_space<vmem>>
        %dma_start3A_306 = arith.constant 0 : i32
        %dma_start3A_307 = arith.constant 0 : i32
        %dma_start3A_308 = tpu.memref_slice %arg10[%dma_start3A_306, %dma_start3A_307] : memref<10232x64xf32, #tpu.memory_space<vmem_shared>> -> memref<10232x64xf32, #tpu.memory_space<vmem_shared>>
        tpu.enqueue_indirect_dma source(%dma_start3A_302 : memref<128x64xf32, #tpu.memory_space<vmem>>) target(%dma_start3A_308 : memref<10232x64xf32, #tpu.memory_space<vmem_shared>>) offsets(%dma_start3A_305 : memref<128xi32, #tpu.memory_space<vmem>>) semaphore(%run_scoped3A_298 : memref<!tpu.dma_semaphore, #tpu.memory_space<semaphore_mem>>) {add = true}
        %dma_wait3A_309 = arith.constant 0 : i32
        %dma_wait3A_310 = arith.constant 0 : i32
        %dma_wait3A_311 = tpu.memref_slice %arg9[%run_scoped3A_290, %dma_wait3A_309, %dma_wait3A_310] : memref<8x128x64xf32, #tpu.memory_space<vmem>> -> memref<1x128x64xf32, #tpu.memory_space<vmem>>
        %dma_wait3A_312 = tpu.memref_squeeze %dma_wait3A_311 : memref<1x128x64xf32, #tpu.memory_space<vmem>> -> memref<128x64xf32, #tpu.memory_space<vmem>>
        %dma_wait3A_313 = arith.constant 0 : i32
        %dma_wait3A_314 = tpu.memref_slice %arg8[%add3A_278, %dma_wait3A_313] : memref<80x128xi32, #tpu.memory_space<vmem>> -> memref<1x128xi32, #tpu.memory_space<vmem>>
        %dma_wait3A_315 = tpu.memref_squeeze %dma_wait3A_314 : memref<1x128xi32, #tpu.memory_space<vmem>> -> memref<128xi32, #tpu.memory_space<vmem>>
        %dma_wait3A_316 = arith.constant 0 : i32
        %dma_wait3A_317 = arith.constant 0 : i32
        %dma_wait3A_318 = tpu.memref_slice %arg10[%dma_wait3A_316, %dma_wait3A_317] : memref<10232x64xf32, #tpu.memory_space<vmem_shared>> -> memref<10232x64xf32, #tpu.memory_space<vmem_shared>>
        tpu.wait_indirect_dma semaphore(%run_scoped3A_298 : memref<!tpu.dma_semaphore, #tpu.memory_space<semaphore_mem>>) src(%dma_wait3A_312 : memref<128x64xf32, #tpu.memory_space<vmem>>) dst(%dma_wait3A_318 : memref<10232x64xf32, #tpu.memory_space<vmem_shared>>)
        tpu.yield
      }) : () -> ()
      %add3A_291 = arith.constant 8 : i32
      %add3A_292 = arith.addi %add3A_278, %add3A_291 : i32
      %lt3A_293 = arith.constant 80 : i32
      %lt3A_294 = arith.cmpi slt, %add3A_292, %lt3A_293 : i32
      %convert_element_type3A_295 = arith.extui %lt3A_294 : i1 to i32
      %cond3A_296 = arith.constant 0 : i32
      %cond3A_297 = arith.cmpi ne, %convert_element_type3A_295, %cond3A_296 : i32
      scf.if %cond3A_297 {
        %dma_start3A_298 = arith.constant 7 : i32
        %dma_start3A_299 = arith.constant 0 : i32
        %dma_start3A_300 = arith.constant 0 : i32
        %dma_start3A_301 = tpu.memref_slice %arg9[%dma_start3A_298, %dma_start3A_299, %dma_start3A_300] : memref<8x128x64xf32, #tpu.memory_space<vmem>> -> memref<1x128x64xf32, #tpu.memory_space<vmem>>
        %dma_start3A_302 = tpu.memref_squeeze %dma_start3A_301 : memref<1x128x64xf32, #tpu.memory_space<vmem>> -> memref<128x64xf32, #tpu.memory_space<vmem>>
        %dma_start3A_303 = arith.constant 0 : i32
        %dma_start3A_304 = tpu.memref_slice %arg7[%add3A_292, %dma_start3A_303] : memref<80x128xi32, #tpu.memory_space<vmem>> -> memref<1x128xi32, #tpu.memory_space<vmem>>
        %dma_start3A_305 = tpu.memref_squeeze %dma_start3A_304 : memref<1x128xi32, #tpu.memory_space<vmem>> -> memref<128xi32, #tpu.memory_space<vmem>>
        %dma_start3A_306 = arith.constant 0 : i32
        %dma_start3A_307 = arith.constant 0 : i32
        %dma_start3A_308 = tpu.memref_slice %arg2[%dma_start3A_306, %dma_start3A_307] : memref<30000x64xf32, #tpu.memory_space<hbm>> -> memref<30000x64xf32, #tpu.memory_space<hbm>>
        tpu.enqueue_indirect_dma source(%dma_start3A_308 : memref<30000x64xf32, #tpu.memory_space<hbm>>) target(%dma_start3A_302 : memref<128x64xf32, #tpu.memory_space<vmem>>) offsets(%dma_start3A_305 : memref<128xi32, #tpu.memory_space<vmem>>) semaphore(%arg18 : memref<!tpu.dma_semaphore, #tpu.memory_space<semaphore_mem>>)
      } else {
      }
    }
    %scan3A_105 = arith.constant 10 : i32
    %barrier3A_106 = arith.constant 0 : index
    tpu.barrier barrier_id(%barrier3A_106)
    %lt3A_107 = arith.constant 15 : i32
    %lt3A_108 = arith.cmpi slt, %arg1, %lt3A_107 : i32
    %convert_element_type3A_109 = arith.extui %lt3A_108 : i1 to i32
    %cond3A_110 = arith.constant 0 : i32
    %cond3A_111 = arith.cmpi ne, %convert_element_type3A_109, %cond3A_110 : i32
    scf.if %cond3A_111 {
      %mul3A = arith.constant 632 : i32
      %mul3A_117 = arith.muli %arg1, %mul3A : i32
      %mul3A_118 = arith.constant 632 : i32
      %mul3A_119 = arith.muli %arg1, %mul3A_118 : i32
      "tpu.region"() ({
        %run_scoped3A = tpu.sem_alloc : memref<!tpu.dma_semaphore, #tpu.memory_space<semaphore_mem>>
        %dma_start3A_120 = arith.constant 0 : i32
        %dma_start3A_121 = tpu.memref_slice %arg6[%arg0, %mul3A_119, %dma_start3A_120] : memref<2x10000x64xf32, #tpu.memory_space<hbm>> -> memref<1x632x64xf32, #tpu.memory_space<hbm>>
        %dma_start3A_122 = tpu.memref_squeeze %dma_start3A_121 : memref<1x632x64xf32, #tpu.memory_space<hbm>> -> memref<632x64xf32, #tpu.memory_space<hbm>>
        %dma_start3A_123 = arith.constant 0 : i32
        %dma_start3A_124 = tpu.memref_slice %arg10[%mul3A_117, %dma_start3A_123] : memref<10232x64xf32, #tpu.memory_space<vmem_shared>> -> memref<632x64xf32, #tpu.memory_space<vmem_shared>>
        tpu.enqueue_dma source(%dma_start3A_124 : memref<632x64xf32, #tpu.memory_space<vmem_shared>>) target(%dma_start3A_122 : memref<632x64xf32, #tpu.memory_space<hbm>>) target_semaphore(%run_scoped3A : memref<!tpu.dma_semaphore, #tpu.memory_space<semaphore_mem>>)
        %dma_wait3A = arith.constant 0 : i32
        %dma_wait3A_125 = tpu.memref_slice %arg6[%arg0, %mul3A_119, %dma_wait3A] : memref<2x10000x64xf32, #tpu.memory_space<hbm>> -> memref<1x632x64xf32, #tpu.memory_space<hbm>>
        %dma_wait3A_126 = tpu.memref_squeeze %dma_wait3A_125 : memref<1x632x64xf32, #tpu.memory_space<hbm>> -> memref<632x64xf32, #tpu.memory_space<hbm>>
        %dma_wait3A_127 = arith.constant 0 : i32
        %dma_wait3A_128 = tpu.memref_slice %arg10[%mul3A_117, %dma_wait3A_127] : memref<10232x64xf32, #tpu.memory_space<vmem_shared>> -> memref<632x64xf32, #tpu.memory_space<vmem_shared>>
        tpu.wait_dma2 semaphore(%run_scoped3A : memref<!tpu.dma_semaphore, #tpu.memory_space<semaphore_mem>>) src(%dma_wait3A_128 : memref<632x64xf32, #tpu.memory_space<vmem_shared>>) dst(%dma_wait3A_126 : memref<632x64xf32, #tpu.memory_space<hbm>>)
        tpu.yield
      }) : () -> ()
    } else {
    }
    %eq3A_112 = arith.constant 15 : i32
    %eq3A_113 = arith.cmpi eq, %arg1, %eq3A_112 : i32
    %convert_element_type3A_114 = arith.extui %eq3A_113 : i1 to i32
    %cond3A_115 = arith.constant 0 : i32
    %cond3A_116 = arith.cmpi ne, %convert_element_type3A_114, %cond3A_115 : i32
    scf.if %cond3A_116 {
      %mul3A = arith.constant 632 : i32
      %mul3A_117 = arith.muli %arg1, %mul3A : i32
      %mul3A_118 = arith.constant 632 : i32
      %mul3A_119 = arith.muli %arg1, %mul3A_118 : i32
      "tpu.region"() ({
        %run_scoped3A = tpu.sem_alloc : memref<!tpu.dma_semaphore, #tpu.memory_space<semaphore_mem>>
        %dma_start3A_120 = arith.constant 0 : i32
        %dma_start3A_121 = tpu.memref_slice %arg6[%arg0, %mul3A_119, %dma_start3A_120] : memref<2x10000x64xf32, #tpu.memory_space<hbm>> -> memref<1x520x64xf32, #tpu.memory_space<hbm>>
        %dma_start3A_122 = tpu.memref_squeeze %dma_start3A_121 : memref<1x520x64xf32, #tpu.memory_space<hbm>> -> memref<520x64xf32, #tpu.memory_space<hbm>>
        %dma_start3A_123 = arith.constant 0 : i32
        %dma_start3A_124 = tpu.memref_slice %arg10[%mul3A_117, %dma_start3A_123] : memref<10232x64xf32, #tpu.memory_space<vmem_shared>> -> memref<520x64xf32, #tpu.memory_space<vmem_shared>>
        tpu.enqueue_dma source(%dma_start3A_124 : memref<520x64xf32, #tpu.memory_space<vmem_shared>>) target(%dma_start3A_122 : memref<520x64xf32, #tpu.memory_space<hbm>>) target_semaphore(%run_scoped3A : memref<!tpu.dma_semaphore, #tpu.memory_space<semaphore_mem>>)
        %dma_wait3A = arith.constant 0 : i32
        %dma_wait3A_125 = tpu.memref_slice %arg6[%arg0, %mul3A_119, %dma_wait3A] : memref<2x10000x64xf32, #tpu.memory_space<hbm>> -> memref<1x520x64xf32, #tpu.memory_space<hbm>>
        %dma_wait3A_126 = tpu.memref_squeeze %dma_wait3A_125 : memref<1x520x64xf32, #tpu.memory_space<hbm>> -> memref<520x64xf32, #tpu.memory_space<hbm>>
        %dma_wait3A_127 = arith.constant 0 : i32
        %dma_wait3A_128 = tpu.memref_slice %arg10[%mul3A_117, %dma_wait3A_127] : memref<10232x64xf32, #tpu.memory_space<vmem_shared>> -> memref<520x64xf32, #tpu.memory_space<vmem_shared>>
        tpu.wait_dma2 semaphore(%run_scoped3A : memref<!tpu.dma_semaphore, #tpu.memory_space<semaphore_mem>>) src(%dma_wait3A_128 : memref<520x64xf32, #tpu.memory_space<vmem_shared>>) dst(%dma_wait3A_126 : memref<520x64xf32, #tpu.memory_space<hbm>>)
        tpu.yield
      }) : () -> ()
    } else {
    }
    return
  }
}

module attributes {stable_mosaic.version = 14 : i64} {
  func.func @_tables_body(%arg0: i32, %arg1: memref<400x128xf32, #tpu.memory_space<vmem>>, %arg2: memref<3x128x64xf32, #tpu.memory_space<vmem>>, %arg3: memref<3x1x64xf32, #tpu.memory_space<vmem>>, %arg4: memref<3x64x64xf32, #tpu.memory_space<vmem>>, %arg5: memref<3x1x64xf32, #tpu.memory_space<vmem>>, %arg6: memref<3x64x128xf32, #tpu.memory_space<vmem>>, %arg7: memref<3x1x128xf32, #tpu.memory_space<vmem>>, %arg8: memref<3x128x64xf32, #tpu.memory_space<vmem>>, %arg9: memref<3x400x64xf32, #tpu.memory_space<vmem>>) attributes {dimension_semantics = [#tpu.dimension_semantics<arbitrary>], iteration_bounds = array<i64: 25>, scalar_prefetch = 0 : i64, scratch_operands = 0 : i64, tpu.core_type = #tpu.core_type<tc>, window_params = [{transform_indices = @transform_0, window_bounds = array<i64: 400, 128>}, {pipeline_mode = #tpu.pipeline_mode<synchronous>, transform_indices = @transform_1, window_bounds = array<i64: 3, 128, 64>}, {pipeline_mode = #tpu.pipeline_mode<synchronous>, transform_indices = @transform_2, window_bounds = array<i64: 3, 1, 64>}, {pipeline_mode = #tpu.pipeline_mode<synchronous>, transform_indices = @transform_3, window_bounds = array<i64: 3, 64, 64>}, {pipeline_mode = #tpu.pipeline_mode<synchronous>, transform_indices = @transform_4, window_bounds = array<i64: 3, 1, 64>}, {pipeline_mode = #tpu.pipeline_mode<synchronous>, transform_indices = @transform_5, window_bounds = array<i64: 3, 64, 128>}, {pipeline_mode = #tpu.pipeline_mode<synchronous>, transform_indices = @transform_6, window_bounds = array<i64: 3, 1, 128>}, {pipeline_mode = #tpu.pipeline_mode<synchronous>, transform_indices = @transform_7, window_bounds = array<i64: 3, 128, 64>}, {transform_indices = @transform_8, window_bounds = array<i64: 3, 400, 64>}]} {
    %get3A = arith.constant 0 : index
    %get3A_0 = arith.constant 0 : index
    %get3A_1 = vector.load %arg1[%get3A, %get3A_0] : memref<400x128xf32, #tpu.memory_space<vmem>>, vector<400x128xf32>
    %get3A_2 = arith.constant 0 : index
    %get3A_3 = arith.constant 0 : index
    %get3A_4 = arith.constant 0 : index
    %get3A_5 = vector.load %arg2[%get3A_2, %get3A_3, %get3A_4] : memref<3x128x64xf32, #tpu.memory_space<vmem>>, vector<1x128x64xf32>
    %get3A_6 = vector.shape_cast %get3A_5 : vector<1x128x64xf32> to vector<128x64xf32>
    %dot_general3A = arith.constant dense<0.000000e+00> : vector<400x64xf32>
    %dot_general3A_7 = tpu.matmul %get3A_1, %get3A_6, %dot_general3A {dimension_numbers = #tpu.dot_dimension_numbers<[1], [0], [0], [1], [0, 0, 1, 1], [], []>, transpose_lhs_hint = false} : vector<400x128xf32>, vector<128x64xf32>, vector<400x64xf32> -> vector<400x64xf32>
    %get3A_8 = arith.constant 0 : index
    %get3A_9 = arith.constant 0 : index
    %get3A_10 = arith.constant 0 : index
    %get3A_11 = vector.load %arg3[%get3A_8, %get3A_9, %get3A_10] : memref<3x1x64xf32, #tpu.memory_space<vmem>>, vector<1x1x64xf32>
    %get3A_12 = vector.shape_cast %get3A_11 : vector<1x1x64xf32> to vector<1x64xf32>
    %add3A = vector.broadcast %get3A_12 : vector<1x64xf32> to vector<400x64xf32>
    %add3A_13 = arith.addf %dot_general3A_7, %add3A : vector<400x64xf32>
    %max3A = arith.constant 0.000000e+00 : f32
    %max3A_14 = vector.broadcast %max3A : f32 to vector<400x64xf32>
    %max3A_15 = arith.maximumf %add3A_13, %max3A_14 : vector<400x64xf32>
    %get3A_16 = arith.constant 0 : index
    %get3A_17 = arith.constant 0 : index
    %get3A_18 = arith.constant 0 : index
    %get3A_19 = vector.load %arg4[%get3A_16, %get3A_17, %get3A_18] : memref<3x64x64xf32, #tpu.memory_space<vmem>>, vector<1x64x64xf32>
    %get3A_20 = vector.shape_cast %get3A_19 : vector<1x64x64xf32> to vector<64x64xf32>
    %dot_general3A_21 = arith.constant dense<0.000000e+00> : vector<400x64xf32>
    %dot_general3A_22 = tpu.matmul %max3A_15, %get3A_20, %dot_general3A_21 {dimension_numbers = #tpu.dot_dimension_numbers<[1], [0], [0], [1], [0, 0, 1, 1], [], []>, transpose_lhs_hint = false} : vector<400x64xf32>, vector<64x64xf32>, vector<400x64xf32> -> vector<400x64xf32>
    %get3A_23 = arith.constant 0 : index
    %get3A_24 = arith.constant 0 : index
    %get3A_25 = arith.constant 0 : index
    %get3A_26 = vector.load %arg5[%get3A_23, %get3A_24, %get3A_25] : memref<3x1x64xf32, #tpu.memory_space<vmem>>, vector<1x1x64xf32>
    %get3A_27 = vector.shape_cast %get3A_26 : vector<1x1x64xf32> to vector<1x64xf32>
    %add3A_28 = vector.broadcast %get3A_27 : vector<1x64xf32> to vector<400x64xf32>
    %add3A_29 = arith.addf %dot_general3A_22, %add3A_28 : vector<400x64xf32>
    %max3A_30 = arith.constant 0.000000e+00 : f32
    %max3A_31 = vector.broadcast %max3A_30 : f32 to vector<400x64xf32>
    %max3A_32 = arith.maximumf %add3A_29, %max3A_31 : vector<400x64xf32>
    %get3A_33 = arith.constant 0 : index
    %get3A_34 = arith.constant 0 : index
    %get3A_35 = arith.constant 0 : index
    %get3A_36 = vector.load %arg6[%get3A_33, %get3A_34, %get3A_35] : memref<3x64x128xf32, #tpu.memory_space<vmem>>, vector<1x64x128xf32>
    %get3A_37 = vector.shape_cast %get3A_36 : vector<1x64x128xf32> to vector<64x128xf32>
    %dot_general3A_38 = arith.constant dense<0.000000e+00> : vector<400x128xf32>
    %dot_general3A_39 = tpu.matmul %max3A_32, %get3A_37, %dot_general3A_38 {dimension_numbers = #tpu.dot_dimension_numbers<[1], [0], [0], [1], [0, 0, 1, 1], [], []>, transpose_lhs_hint = false} : vector<400x64xf32>, vector<64x128xf32>, vector<400x128xf32> -> vector<400x128xf32>
    %get3A_40 = arith.constant 0 : index
    %get3A_41 = arith.constant 0 : index
    %get3A_42 = arith.constant 0 : index
    %get3A_43 = vector.load %arg7[%get3A_40, %get3A_41, %get3A_42] : memref<3x1x128xf32, #tpu.memory_space<vmem>>, vector<1x1x128xf32>
    %get3A_44 = vector.shape_cast %get3A_43 : vector<1x1x128xf32> to vector<1x128xf32>
    %add3A_45 = vector.broadcast %get3A_44 : vector<1x128xf32> to vector<400x128xf32>
    %add3A_46 = arith.addf %dot_general3A_39, %add3A_45 : vector<400x128xf32>
    %max3A_47 = arith.constant 0.000000e+00 : f32
    %max3A_48 = vector.broadcast %max3A_47 : f32 to vector<400x128xf32>
    %max3A_49 = arith.maximumf %add3A_46, %max3A_48 : vector<400x128xf32>
    %get3A_50 = arith.constant 0 : index
    %get3A_51 = arith.constant 0 : index
    %get3A_52 = arith.constant 0 : index
    %get3A_53 = vector.load %arg8[%get3A_50, %get3A_51, %get3A_52] : memref<3x128x64xf32, #tpu.memory_space<vmem>>, vector<1x128x64xf32>
    %get3A_54 = vector.shape_cast %get3A_53 : vector<1x128x64xf32> to vector<128x64xf32>
    %dot_general3A_55 = arith.constant dense<0.000000e+00> : vector<400x64xf32>
    %dot_general3A_56 = tpu.matmul %max3A_49, %get3A_54, %dot_general3A_55 {dimension_numbers = #tpu.dot_dimension_numbers<[1], [0], [0], [1], [0, 0, 1, 1], [], []>, transpose_lhs_hint = false} : vector<400x128xf32>, vector<128x64xf32>, vector<400x64xf32> -> vector<400x64xf32>
    %swap3A = arith.constant 0 : index
    %swap3A_57 = arith.constant 0 : index
    %swap3A_58 = arith.constant 0 : index
    %swap3A_59 = vector.load %arg9[%swap3A, %swap3A_57, %swap3A_58] : memref<3x400x64xf32, #tpu.memory_space<vmem>>, vector<1x400x64xf32>
    %swap3A_60 = vector.shape_cast %swap3A_59 : vector<1x400x64xf32> to vector<400x64xf32>
    %swap3A_61 = vector.shape_cast %dot_general3A_56 : vector<400x64xf32> to vector<1x400x64xf32>
    tpu.vector_store %arg9[%swap3A, %swap3A_57, %swap3A_58], %swap3A_61 {strides = array<i32>} : memref<3x400x64xf32, #tpu.memory_space<vmem>>, vector<1x400x64xf32>,
    %get3A_62 = arith.constant 1 : index
    %get3A_63 = arith.constant 0 : index
    %get3A_64 = arith.constant 0 : index
    %get3A_65 = vector.load %arg2[%get3A_62, %get3A_63, %get3A_64] : memref<3x128x64xf32, #tpu.memory_space<vmem>>, vector<1x128x64xf32>
    %get3A_66 = vector.shape_cast %get3A_65 : vector<1x128x64xf32> to vector<128x64xf32>
    %dot_general3A_67 = arith.constant dense<0.000000e+00> : vector<400x64xf32>
    %dot_general3A_68 = tpu.matmul %get3A_1, %get3A_66, %dot_general3A_67 {dimension_numbers = #tpu.dot_dimension_numbers<[1], [0], [0], [1], [0, 0, 1, 1], [], []>, transpose_lhs_hint = false} : vector<400x128xf32>, vector<128x64xf32>, vector<400x64xf32> -> vector<400x64xf32>
    %get3A_69 = arith.constant 1 : index
    %get3A_70 = arith.constant 0 : index
    %get3A_71 = arith.constant 0 : index
    %get3A_72 = vector.load %arg3[%get3A_69, %get3A_70, %get3A_71] : memref<3x1x64xf32, #tpu.memory_space<vmem>>, vector<1x1x64xf32>
    %get3A_73 = vector.shape_cast %get3A_72 : vector<1x1x64xf32> to vector<1x64xf32>
    %add3A_74 = vector.broadcast %get3A_73 : vector<1x64xf32> to vector<400x64xf32>
    %add3A_75 = arith.addf %dot_general3A_68, %add3A_74 : vector<400x64xf32>
    %max3A_76 = arith.constant 0.000000e+00 : f32
    %max3A_77 = vector.broadcast %max3A_76 : f32 to vector<400x64xf32>
    %max3A_78 = arith.maximumf %add3A_75, %max3A_77 : vector<400x64xf32>
    %get3A_79 = arith.constant 1 : index
    %get3A_80 = arith.constant 0 : index
    %get3A_81 = arith.constant 0 : index
    %get3A_82 = vector.load %arg4[%get3A_79, %get3A_80, %get3A_81] : memref<3x64x64xf32, #tpu.memory_space<vmem>>, vector<1x64x64xf32>
    %get3A_83 = vector.shape_cast %get3A_82 : vector<1x64x64xf32> to vector<64x64xf32>
    %dot_general3A_84 = arith.constant dense<0.000000e+00> : vector<400x64xf32>
    %dot_general3A_85 = tpu.matmul %max3A_78, %get3A_83, %dot_general3A_84 {dimension_numbers = #tpu.dot_dimension_numbers<[1], [0], [0], [1], [0, 0, 1, 1], [], []>, transpose_lhs_hint = false} : vector<400x64xf32>, vector<64x64xf32>, vector<400x64xf32> -> vector<400x64xf32>
    %get3A_86 = arith.constant 1 : index
    %get3A_87 = arith.constant 0 : index
    %get3A_88 = arith.constant 0 : index
    %get3A_89 = vector.load %arg5[%get3A_86, %get3A_87, %get3A_88] : memref<3x1x64xf32, #tpu.memory_space<vmem>>, vector<1x1x64xf32>
    %get3A_90 = vector.shape_cast %get3A_89 : vector<1x1x64xf32> to vector<1x64xf32>
    %add3A_91 = vector.broadcast %get3A_90 : vector<1x64xf32> to vector<400x64xf32>
    %add3A_92 = arith.addf %dot_general3A_85, %add3A_91 : vector<400x64xf32>
    %max3A_93 = arith.constant 0.000000e+00 : f32
    %max3A_94 = vector.broadcast %max3A_93 : f32 to vector<400x64xf32>
    %max3A_95 = arith.maximumf %add3A_92, %max3A_94 : vector<400x64xf32>
    %get3A_96 = arith.constant 1 : index
    %get3A_97 = arith.constant 0 : index
    %get3A_98 = arith.constant 0 : index
    %get3A_99 = vector.load %arg6[%get3A_96, %get3A_97, %get3A_98] : memref<3x64x128xf32, #tpu.memory_space<vmem>>, vector<1x64x128xf32>
    %get3A_100 = vector.shape_cast %get3A_99 : vector<1x64x128xf32> to vector<64x128xf32>
    %dot_general3A_101 = arith.constant dense<0.000000e+00> : vector<400x128xf32>
    %dot_general3A_102 = tpu.matmul %max3A_95, %get3A_100, %dot_general3A_101 {dimension_numbers = #tpu.dot_dimension_numbers<[1], [0], [0], [1], [0, 0, 1, 1], [], []>, transpose_lhs_hint = false} : vector<400x64xf32>, vector<64x128xf32>, vector<400x128xf32> -> vector<400x128xf32>
    %get3A_103 = arith.constant 1 : index
    %get3A_104 = arith.constant 0 : index
    %get3A_105 = arith.constant 0 : index
    %get3A_106 = vector.load %arg7[%get3A_103, %get3A_104, %get3A_105] : memref<3x1x128xf32, #tpu.memory_space<vmem>>, vector<1x1x128xf32>
    %get3A_107 = vector.shape_cast %get3A_106 : vector<1x1x128xf32> to vector<1x128xf32>
    %add3A_108 = vector.broadcast %get3A_107 : vector<1x128xf32> to vector<400x128xf32>
    %add3A_109 = arith.addf %dot_general3A_102, %add3A_108 : vector<400x128xf32>
    %max3A_110 = arith.constant 0.000000e+00 : f32
    %max3A_111 = vector.broadcast %max3A_110 : f32 to vector<400x128xf32>
    %max3A_112 = arith.maximumf %add3A_109, %max3A_111 : vector<400x128xf32>
    %get3A_113 = arith.constant 1 : index
    %get3A_114 = arith.constant 0 : index
    %get3A_115 = arith.constant 0 : index
    %get3A_116 = vector.load %arg8[%get3A_113, %get3A_114, %get3A_115] : memref<3x128x64xf32, #tpu.memory_space<vmem>>, vector<1x128x64xf32>
    %get3A_117 = vector.shape_cast %get3A_116 : vector<1x128x64xf32> to vector<128x64xf32>
    %dot_general3A_118 = arith.constant dense<0.000000e+00> : vector<400x64xf32>
    %dot_general3A_119 = tpu.matmul %max3A_112, %get3A_117, %dot_general3A_118 {dimension_numbers = #tpu.dot_dimension_numbers<[1], [0], [0], [1], [0, 0, 1, 1], [], []>, transpose_lhs_hint = false} : vector<400x128xf32>, vector<128x64xf32>, vector<400x64xf32> -> vector<400x64xf32>
    %swap3A_120 = arith.constant 1 : index
    %swap3A_121 = arith.constant 0 : index
    %swap3A_122 = arith.constant 0 : index
    %swap3A_123 = vector.load %arg9[%swap3A_120, %swap3A_121, %swap3A_122] : memref<3x400x64xf32, #tpu.memory_space<vmem>>, vector<1x400x64xf32>
    %swap3A_124 = vector.shape_cast %swap3A_123 : vector<1x400x64xf32> to vector<400x64xf32>
    %swap3A_125 = vector.shape_cast %dot_general3A_119 : vector<400x64xf32> to vector<1x400x64xf32>
    tpu.vector_store %arg9[%swap3A_120, %swap3A_121, %swap3A_122], %swap3A_125 {strides = array<i32>} : memref<3x400x64xf32, #tpu.memory_space<vmem>>, vector<1x400x64xf32>,
    %get3A_126 = arith.constant 2 : index
    %get3A_127 = arith.constant 0 : index
    %get3A_128 = arith.constant 0 : index
    %get3A_129 = vector.load %arg2[%get3A_126, %get3A_127, %get3A_128] : memref<3x128x64xf32, #tpu.memory_space<vmem>>, vector<1x128x64xf32>
    %get3A_130 = vector.shape_cast %get3A_129 : vector<1x128x64xf32> to vector<128x64xf32>
    %dot_general3A_131 = arith.constant dense<0.000000e+00> : vector<400x64xf32>
    %dot_general3A_132 = tpu.matmul %get3A_1, %get3A_130, %dot_general3A_131 {dimension_numbers = #tpu.dot_dimension_numbers<[1], [0], [0], [1], [0, 0, 1, 1], [], []>, transpose_lhs_hint = false} : vector<400x128xf32>, vector<128x64xf32>, vector<400x64xf32> -> vector<400x64xf32>
    %get3A_133 = arith.constant 2 : index
    %get3A_134 = arith.constant 0 : index
    %get3A_135 = arith.constant 0 : index
    %get3A_136 = vector.load %arg3[%get3A_133, %get3A_134, %get3A_135] : memref<3x1x64xf32, #tpu.memory_space<vmem>>, vector<1x1x64xf32>
    %get3A_137 = vector.shape_cast %get3A_136 : vector<1x1x64xf32> to vector<1x64xf32>
    %add3A_138 = vector.broadcast %get3A_137 : vector<1x64xf32> to vector<400x64xf32>
    %add3A_139 = arith.addf %dot_general3A_132, %add3A_138 : vector<400x64xf32>
    %max3A_140 = arith.constant 0.000000e+00 : f32
    %max3A_141 = vector.broadcast %max3A_140 : f32 to vector<400x64xf32>
    %max3A_142 = arith.maximumf %add3A_139, %max3A_141 : vector<400x64xf32>
    %get3A_143 = arith.constant 2 : index
    %get3A_144 = arith.constant 0 : index
    %get3A_145 = arith.constant 0 : index
    %get3A_146 = vector.load %arg4[%get3A_143, %get3A_144, %get3A_145] : memref<3x64x64xf32, #tpu.memory_space<vmem>>, vector<1x64x64xf32>
    %get3A_147 = vector.shape_cast %get3A_146 : vector<1x64x64xf32> to vector<64x64xf32>
    %dot_general3A_148 = arith.constant dense<0.000000e+00> : vector<400x64xf32>
    %dot_general3A_149 = tpu.matmul %max3A_142, %get3A_147, %dot_general3A_148 {dimension_numbers = #tpu.dot_dimension_numbers<[1], [0], [0], [1], [0, 0, 1, 1], [], []>, transpose_lhs_hint = false} : vector<400x64xf32>, vector<64x64xf32>, vector<400x64xf32> -> vector<400x64xf32>
    %get3A_150 = arith.constant 2 : index
    %get3A_151 = arith.constant 0 : index
    %get3A_152 = arith.constant 0 : index
    %get3A_153 = vector.load %arg5[%get3A_150, %get3A_151, %get3A_152] : memref<3x1x64xf32, #tpu.memory_space<vmem>>, vector<1x1x64xf32>
    %get3A_154 = vector.shape_cast %get3A_153 : vector<1x1x64xf32> to vector<1x64xf32>
    %add3A_155 = vector.broadcast %get3A_154 : vector<1x64xf32> to vector<400x64xf32>
    %add3A_156 = arith.addf %dot_general3A_149, %add3A_155 : vector<400x64xf32>
    %max3A_157 = arith.constant 0.000000e+00 : f32
    %max3A_158 = vector.broadcast %max3A_157 : f32 to vector<400x64xf32>
    %max3A_159 = arith.maximumf %add3A_156, %max3A_158 : vector<400x64xf32>
    %get3A_160 = arith.constant 2 : index
    %get3A_161 = arith.constant 0 : index
    %get3A_162 = arith.constant 0 : index
    %get3A_163 = vector.load %arg6[%get3A_160, %get3A_161, %get3A_162] : memref<3x64x128xf32, #tpu.memory_space<vmem>>, vector<1x64x128xf32>
    %get3A_164 = vector.shape_cast %get3A_163 : vector<1x64x128xf32> to vector<64x128xf32>
    %dot_general3A_165 = arith.constant dense<0.000000e+00> : vector<400x128xf32>
    %dot_general3A_166 = tpu.matmul %max3A_159, %get3A_164, %dot_general3A_165 {dimension_numbers = #tpu.dot_dimension_numbers<[1], [0], [0], [1], [0, 0, 1, 1], [], []>, transpose_lhs_hint = false} : vector<400x64xf32>, vector<64x128xf32>, vector<400x128xf32> -> vector<400x128xf32>
    %get3A_167 = arith.constant 2 : index
    %get3A_168 = arith.constant 0 : index
    %get3A_169 = arith.constant 0 : index
    %get3A_170 = vector.load %arg7[%get3A_167, %get3A_168, %get3A_169] : memref<3x1x128xf32, #tpu.memory_space<vmem>>, vector<1x1x128xf32>
    %get3A_171 = vector.shape_cast %get3A_170 : vector<1x1x128xf32> to vector<1x128xf32>
    %add3A_172 = vector.broadcast %get3A_171 : vector<1x128xf32> to vector<400x128xf32>
    %add3A_173 = arith.addf %dot_general3A_166, %add3A_172 : vector<400x128xf32>
    %max3A_174 = arith.constant 0.000000e+00 : f32
    %max3A_175 = vector.broadcast %max3A_174 : f32 to vector<400x128xf32>
    %max3A_176 = arith.maximumf %add3A_173, %max3A_175 : vector<400x128xf32>
    %get3A_177 = arith.constant 2 : index
    %get3A_178 = arith.constant 0 : index
    %get3A_179 = arith.constant 0 : index
    %get3A_180 = vector.load %arg8[%get3A_177, %get3A_178, %get3A_179] : memref<3x128x64xf32, #tpu.memory_space<vmem>>, vector<1x128x64xf32>
    %get3A_181 = vector.shape_cast %get3A_180 : vector<1x128x64xf32> to vector<128x64xf32>
    %dot_general3A_182 = arith.constant dense<0.000000e+00> : vector<400x64xf32>
    %dot_general3A_183 = tpu.matmul %max3A_176, %get3A_181, %dot_general3A_182 {dimension_numbers = #tpu.dot_dimension_numbers<[1], [0], [0], [1], [0, 0, 1, 1], [], []>, transpose_lhs_hint = false} : vector<400x128xf32>, vector<128x64xf32>, vector<400x64xf32> -> vector<400x64xf32>
    %swap3A_184 = arith.constant 2 : index
    %swap3A_185 = arith.constant 0 : index
    %swap3A_186 = arith.constant 0 : index
    %swap3A_187 = vector.load %arg9[%swap3A_184, %swap3A_185, %swap3A_186] : memref<3x400x64xf32, #tpu.memory_space<vmem>>, vector<1x400x64xf32>
    %swap3A_188 = vector.shape_cast %swap3A_187 : vector<1x400x64xf32> to vector<400x64xf32>
    %swap3A_189 = vector.shape_cast %dot_general3A_183 : vector<400x64xf32> to vector<1x400x64xf32>
    tpu.vector_store %arg9[%swap3A_184, %swap3A_185, %swap3A_186], %swap3A_189 {strides = array<i32>} : memref<3x400x64xf32, #tpu.memory_space<vmem>>, vector<1x400x64xf32>,
    return
  }
  func.func @transform_0(%arg0: i32) -> (i32, i32) {
    %c0_i32 = arith.constant 0 : i32
    %c0_i32_0 = arith.constant 0 : i32
    return %arg0, %c0_i32 : i32, i32
  }
  func.func @transform_1(%arg0: i32) -> (i32, i32, i32) {
    %c0_i32 = arith.constant 0 : i32
    %c0_i32_0 = arith.constant 0 : i32
    %c0_i32_1 = arith.constant 0 : i32
    %c0_i32_2 = arith.constant 0 : i32
    return %c0_i32, %c0_i32_0, %c0_i32_1 : i32, i32, i32
  }
  func.func @transform_2(%arg0: i32) -> (i32, i32, i32) {
    %c0_i32 = arith.constant 0 : i32
    %c0_i32_0 = arith.constant 0 : i32
    %c0_i32_1 = arith.constant 0 : i32
    %c0_i32_2 = arith.constant 0 : i32
    return %c0_i32, %c0_i32_0, %c0_i32_1 : i32, i32, i32
  }
  func.func @transform_3(%arg0: i32) -> (i32, i32, i32) {
    %c0_i32 = arith.constant 0 : i32
    %c0_i32_0 = arith.constant 0 : i32
    %c0_i32_1 = arith.constant 0 : i32
    %c0_i32_2 = arith.constant 0 : i32
    return %c0_i32, %c0_i32_0, %c0_i32_1 : i32, i32, i32
  }
  func.func @transform_4(%arg0: i32) -> (i32, i32, i32) {
    %c0_i32 = arith.constant 0 : i32
    %c0_i32_0 = arith.constant 0 : i32
    %c0_i32_1 = arith.constant 0 : i32
    %c0_i32_2 = arith.constant 0 : i32
    return %c0_i32, %c0_i32_0, %c0_i32_1 : i32, i32, i32
  }
  func.func @transform_5(%arg0: i32) -> (i32, i32, i32) {
    %c0_i32 = arith.constant 0 : i32
    %c0_i32_0 = arith.constant 0 : i32
    %c0_i32_1 = arith.constant 0 : i32
    %c0_i32_2 = arith.constant 0 : i32
    return %c0_i32, %c0_i32_0, %c0_i32_1 : i32, i32, i32
  }
  func.func @transform_6(%arg0: i32) -> (i32, i32, i32) {
    %c0_i32 = arith.constant 0 : i32
    %c0_i32_0 = arith.constant 0 : i32
    %c0_i32_1 = arith.constant 0 : i32
    %c0_i32_2 = arith.constant 0 : i32
    return %c0_i32, %c0_i32_0, %c0_i32_1 : i32, i32, i32
  }
  func.func @transform_7(%arg0: i32) -> (i32, i32, i32) {
    %c0_i32 = arith.constant 0 : i32
    %c0_i32_0 = arith.constant 0 : i32
    %c0_i32_1 = arith.constant 0 : i32
    %c0_i32_2 = arith.constant 0 : i32
    return %c0_i32, %c0_i32_0, %c0_i32_1 : i32, i32, i32
  }
  func.func @transform_8(%arg0: i32) -> (i32, i32, i32) {
    %c0_i32 = arith.constant 0 : i32
    %c0_i32_0 = arith.constant 0 : i32
    %c0_i32_1 = arith.constant 0 : i32
    return %c0_i32, %arg0, %c0_i32_0 : i32, i32, i32
  }
}

module attributes {stable_mosaic.version = 14 : i64} {
  func.func @_index_body(%arg0: i32, %arg1: memref<512x128xi32, #tpu.memory_space<vmem>>, %arg2: memref<512x128xi32, #tpu.memory_space<vmem>>, %arg3: memref<512x128xi32, #tpu.memory_space<vmem>>, %arg4: memref<512x128xi32, #tpu.memory_space<vmem>>, %arg5: memref<512x128xi32, #tpu.memory_space<vmem>>) attributes {dimension_semantics = [#tpu.dimension_semantics<arbitrary>], iteration_bounds = array<i64: 5>, scalar_prefetch = 0 : i64, scratch_operands = 0 : i64, tpu.core_type = #tpu.core_type<tc>, window_params = [{transform_indices = @transform_0, window_bounds = array<i64: 512, 128>}, {transform_indices = @transform_1, window_bounds = array<i64: 512, 128>}, {transform_indices = @transform_2, window_bounds = array<i64: 512, 128>}, {transform_indices = @transform_3, window_bounds = array<i64: 512, 128>}, {transform_indices = @transform_4, window_bounds = array<i64: 512, 128>}]} {
    %get3A = arith.constant 0 : index
    %get3A_0 = arith.constant 0 : index
    %get3A_1 = vector.load %arg1[%get3A, %get3A_0] : memref<512x128xi32, #tpu.memory_space<vmem>>, vector<512x128xi32>
    %get3A_2 = arith.constant 0 : index
    %get3A_3 = arith.constant 0 : index
    %get3A_4 = vector.load %arg2[%get3A_2, %get3A_3] : memref<512x128xi32, #tpu.memory_space<vmem>>, vector<512x128xi32>
    %get3A_5 = arith.constant 0 : index
    %get3A_6 = arith.constant 0 : index
    %get3A_7 = vector.load %arg3[%get3A_5, %get3A_6] : memref<512x128xi32, #tpu.memory_space<vmem>>, vector<512x128xi32>
    %iota3A = tpu.iota {dimensions = array<i32: 0>} : vector<512x128xi32>
    %mul3A = arith.constant 512 : i32
    %mul3A_8 = arith.muli %arg0, %mul3A : i32
    %add3A = vector.broadcast %mul3A_8 : i32 to vector<512x128xi32>
    %add3A_9 = arith.addi %iota3A, %add3A : vector<512x128xi32>
    %iota3A_10 = tpu.iota {dimensions = array<i32: 1>} : vector<512x128xi32>
    %mul3A_11 = arith.constant 128 : i32
    %mul3A_12 = vector.broadcast %mul3A_11 : i32 to vector<512x128xi32>
    %mul3A_13 = arith.muli %add3A_9, %mul3A_12 : vector<512x128xi32>
    %add3A_14 = arith.addi %mul3A_13, %iota3A_10 : vector<512x128xi32>
    %jit3A = arith.constant 80 : i32
    %eq3A = arith.constant 0 : i32
    %eq3A_15 = arith.cmpi eq, %jit3A, %eq3A : i32
    %jit3A_16 = arith.constant 1 : i32
    %select_n3A = arith.select %eq3A_15, %jit3A_16, %jit3A : i32
    %rem3A = vector.broadcast %select_n3A : i32 to vector<512x128xi32>
    %rem3A_17 = arith.remsi %add3A_9, %rem3A : vector<512x128xi32>
    %ne3A = arith.constant 0 : i32
    %ne3A_18 = vector.broadcast %ne3A : i32 to vector<512x128xi32>
    %ne3A_19 = arith.cmpi ne, %rem3A_17, %ne3A_18 : vector<512x128xi32>
    %lt3A = arith.constant 0 : i32
    %lt3A_20 = vector.broadcast %lt3A : i32 to vector<512x128xi32>
    %lt3A_21 = arith.cmpi slt, %rem3A_17, %lt3A_20 : vector<512x128xi32>
    %lt3A_22 = arith.constant 0 : i32
    %lt3A_23 = arith.cmpi slt, %select_n3A, %lt3A_22 : i32
    %ne3A_24 = vector.broadcast %lt3A_23 : i1 to vector<512x128xi1>
    %ne3A_25 = vector.broadcast %ne3A_24 : vector<512x128xi1> to vector<512x128xi1>
    %ne3A_26 = arith.xori %lt3A_21, %ne3A_25 : vector<512x128xi1>
    %and3A = arith.andi %ne3A_26, %ne3A_19 : vector<512x128xi1>
    %add3A_27 = vector.broadcast %select_n3A : i32 to vector<512x128xi32>
    %add3A_28 = arith.addi %rem3A_17, %add3A_27 : vector<512x128xi32>
    %select_n3A_29 = arith.select %and3A, %add3A_28, %rem3A_17 : vector<512x128xi1>, vector<512x128xi32>
    %mul3A_30 = arith.constant 128 : i32
    %mul3A_31 = vector.broadcast %mul3A_30 : i32 to vector<512x128xi32>
    %mul3A_32 = arith.muli %select_n3A_29, %mul3A_31 : vector<512x128xi32>
    %add3A_33 = arith.addi %mul3A_32, %iota3A_10 : vector<512x128xi32>
    %lt3A_34 = arith.constant 10000 : i32
    %lt3A_35 = vector.broadcast %lt3A_34 : i32 to vector<512x128xi32>
    %lt3A_36 = arith.cmpi slt, %add3A_33, %lt3A_35 : vector<512x128xi32>
    %mul3A_37 = arith.constant 10000 : i32
    %mul3A_38 = vector.broadcast %mul3A_37 : i32 to vector<512x128xi32>
    %mul3A_39 = arith.muli %get3A_7, %mul3A_38 : vector<512x128xi32>
    %add3A_40 = arith.addi %mul3A_39, %get3A_1 : vector<512x128xi32>
    %jit3A_41 = arith.constant 30000 : i32
    %eq3A_42 = arith.constant 0 : i32
    %eq3A_43 = arith.cmpi eq, %jit3A_41, %eq3A_42 : i32
    %jit3A_44 = arith.constant 1 : i32
    %select_n3A_45 = arith.select %eq3A_43, %jit3A_44, %jit3A_41 : i32
    %rem3A_46 = vector.broadcast %select_n3A_45 : i32 to vector<512x128xi32>
    %rem3A_47 = arith.remsi %add3A_14, %rem3A_46 : vector<512x128xi32>
    %ne3A_48 = arith.constant 0 : i32
    %ne3A_49 = vector.broadcast %ne3A_48 : i32 to vector<512x128xi32>
    %ne3A_50 = arith.cmpi ne, %rem3A_47, %ne3A_49 : vector<512x128xi32>
    %lt3A_51 = arith.constant 0 : i32
    %lt3A_52 = vector.broadcast %lt3A_51 : i32 to vector<512x128xi32>
    %lt3A_53 = arith.cmpi slt, %rem3A_47, %lt3A_52 : vector<512x128xi32>
    %lt3A_54 = arith.constant 0 : i32
    %lt3A_55 = arith.cmpi slt, %select_n3A_45, %lt3A_54 : i32
    %ne3A_56 = vector.broadcast %lt3A_55 : i1 to vector<512x128xi1>
    %ne3A_57 = vector.broadcast %ne3A_56 : vector<512x128xi1> to vector<512x128xi1>
    %ne3A_58 = arith.xori %lt3A_53, %ne3A_57 : vector<512x128xi1>
    %and3A_59 = arith.andi %ne3A_58, %ne3A_50 : vector<512x128xi1>
    %add3A_60 = vector.broadcast %select_n3A_45 : i32 to vector<512x128xi32>
    %add3A_61 = arith.addi %rem3A_47, %add3A_60 : vector<512x128xi32>
    %select_n3A_62 = arith.select %and3A_59, %add3A_61, %rem3A_47 : vector<512x128xi1>, vector<512x128xi32>
    %select_n3A_63 = arith.select %lt3A_36, %add3A_40, %select_n3A_62 : vector<512x128xi1>, vector<512x128xi32>
    %swap3A = arith.constant 0 : index
    %swap3A_64 = arith.constant 0 : index
    %swap3A_65 = vector.load %arg4[%swap3A, %swap3A_64] : memref<512x128xi32, #tpu.memory_space<vmem>>, vector<512x128xi32>
    tpu.vector_store %arg4[%swap3A, %swap3A_64], %select_n3A_63 {strides = array<i32>} : memref<512x128xi32, #tpu.memory_space<vmem>>, vector<512x128xi32>,
    %jit3A_66 = arith.constant 232 : i32
    %eq3A_67 = arith.constant 0 : i32
    %eq3A_68 = arith.cmpi eq, %jit3A_66, %eq3A_67 : i32
    %jit3A_69 = arith.constant 1 : i32
    %select_n3A_70 = arith.select %eq3A_68, %jit3A_69, %jit3A_66 : i32
    %rem3A_71 = vector.broadcast %select_n3A_70 : i32 to vector<512x128xi32>
    %rem3A_72 = arith.remsi %add3A_14, %rem3A_71 : vector<512x128xi32>
    %ne3A_73 = arith.constant 0 : i32
    %ne3A_74 = vector.broadcast %ne3A_73 : i32 to vector<512x128xi32>
    %ne3A_75 = arith.cmpi ne, %rem3A_72, %ne3A_74 : vector<512x128xi32>
    %lt3A_76 = arith.constant 0 : i32
    %lt3A_77 = vector.broadcast %lt3A_76 : i32 to vector<512x128xi32>
    %lt3A_78 = arith.cmpi slt, %rem3A_72, %lt3A_77 : vector<512x128xi32>
    %lt3A_79 = arith.constant 0 : i32
    %lt3A_80 = arith.cmpi slt, %select_n3A_70, %lt3A_79 : i32
    %ne3A_81 = vector.broadcast %lt3A_80 : i1 to vector<512x128xi1>
    %ne3A_82 = vector.broadcast %ne3A_81 : vector<512x128xi1> to vector<512x128xi1>
    %ne3A_83 = arith.xori %lt3A_78, %ne3A_82 : vector<512x128xi1>
    %and3A_84 = arith.andi %ne3A_83, %ne3A_75 : vector<512x128xi1>
    %add3A_85 = vector.broadcast %select_n3A_70 : i32 to vector<512x128xi32>
    %add3A_86 = arith.addi %rem3A_72, %add3A_85 : vector<512x128xi32>
    %select_n3A_87 = arith.select %and3A_84, %add3A_86, %rem3A_72 : vector<512x128xi1>, vector<512x128xi32>
    %add3A_88 = arith.constant 10000 : i32
    %add3A_89 = vector.broadcast %add3A_88 : i32 to vector<512x128xi32>
    %add3A_90 = arith.addi %add3A_89, %select_n3A_87 : vector<512x128xi32>
    %select_n3A_91 = arith.select %lt3A_36, %get3A_4, %add3A_90 : vector<512x128xi1>, vector<512x128xi32>
    %swap3A_92 = arith.constant 0 : index
    %swap3A_93 = arith.constant 0 : index
    %swap3A_94 = vector.load %arg5[%swap3A_92, %swap3A_93] : memref<512x128xi32, #tpu.memory_space<vmem>>, vector<512x128xi32>
    tpu.vector_store %arg5[%swap3A_92, %swap3A_93], %select_n3A_91 {strides = array<i32>} : memref<512x128xi32, #tpu.memory_space<vmem>>, vector<512x128xi32>,
    return
  }
  func.func @transform_0(%arg0: i32) -> (i32, i32) {
    %c0_i32 = arith.constant 0 : i32
    %c0_i32_0 = arith.constant 0 : i32
    return %arg0, %c0_i32 : i32, i32
  }
  func.func @transform_1(%arg0: i32) -> (i32, i32) {
    %c0_i32 = arith.constant 0 : i32
    %c0_i32_0 = arith.constant 0 : i32
    return %arg0, %c0_i32 : i32, i32
  }
  func.func @transform_2(%arg0: i32) -> (i32, i32) {
    %c0_i32 = arith.constant 0 : i32
    %c0_i32_0 = arith.constant 0 : i32
    return %arg0, %c0_i32 : i32, i32
  }
  func.func @transform_3(%arg0: i32) -> (i32, i32) {
    %c0_i32 = arith.constant 0 : i32
    %c0_i32_0 = arith.constant 0 : i32
    return %arg0, %c0_i32 : i32, i32
  }
  func.func @transform_4(%arg0: i32) -> (i32, i32) {
    %c0_i32 = arith.constant 0 : i32
    %c0_i32_0 = arith.constant 0 : i32
    return %arg0, %c0_i32 : i32, i32
  }
}

module attributes {stable_mosaic.version = 14 : i64} {
  func.func @_update_body(%arg0: i32, %arg1: memref<400x128xf32, #tpu.memory_space<vmem>>, %arg2: memref<2x400x64xf32, #tpu.memory_space<vmem>>, %arg3: memref<128x64xf32, #tpu.memory_space<vmem>>, %arg4: memref<1x64xf32, #tpu.memory_space<vmem>>, %arg5: memref<64x64xf32, #tpu.memory_space<vmem>>, %arg6: memref<1x64xf32, #tpu.memory_space<vmem>>, %arg7: memref<64x128xf32, #tpu.memory_space<vmem>>, %arg8: memref<1x128xf32, #tpu.memory_space<vmem>>, %arg9: memref<400x1xf32, #tpu.memory_space<vmem>>, %arg10: memref<400x128xf32, #tpu.memory_space<vmem>>) attributes {dimension_semantics = [#tpu.dimension_semantics<arbitrary>], iteration_bounds = array<i64: 25>, scalar_prefetch = 0 : i64, scratch_operands = 0 : i64, tpu.core_type = #tpu.core_type<tc>, window_params = [{transform_indices = @transform_0, window_bounds = array<i64: 400, 128>}, {transform_indices = @transform_1, window_bounds = array<i64: 2, 400, 64>}, {pipeline_mode = #tpu.pipeline_mode<synchronous>, transform_indices = @transform_2, window_bounds = array<i64: 128, 64>}, {pipeline_mode = #tpu.pipeline_mode<synchronous>, transform_indices = @transform_3, window_bounds = array<i64: 1, 64>}, {pipeline_mode = #tpu.pipeline_mode<synchronous>, transform_indices = @transform_4, window_bounds = array<i64: 64, 64>}, {pipeline_mode = #tpu.pipeline_mode<synchronous>, transform_indices = @transform_5, window_bounds = array<i64: 1, 64>}, {pipeline_mode = #tpu.pipeline_mode<synchronous>, transform_indices = @transform_6, window_bounds = array<i64: 64, 128>}, {pipeline_mode = #tpu.pipeline_mode<synchronous>, transform_indices = @transform_7, window_bounds = array<i64: 1, 128>}, {transform_indices = @transform_8, window_bounds = array<i64: 400, 1>}, {transform_indices = @transform_9, window_bounds = array<i64: 400, 128>}]} {
    %get3A = arith.constant 0 : index
    %get3A_0 = arith.constant 0 : index
    %get3A_1 = vector.load %arg1[%get3A, %get3A_0] : memref<400x128xf32, #tpu.memory_space<vmem>>, vector<400x128xf32>
    %max3A = arith.constant 0.000000e+00 : f32
    %max3A_2 = vector.broadcast %max3A : f32 to vector<400x128xf32>
    %max3A_3 = arith.maximumf %get3A_1, %max3A_2 : vector<400x128xf32>
    %get3A_4 = arith.constant 0 : index
    %get3A_5 = arith.constant 0 : index
    %get3A_6 = vector.load %arg3[%get3A_4, %get3A_5] : memref<128x64xf32, #tpu.memory_space<vmem>>, vector<128x64xf32>
    %dot_general3A = arith.constant dense<0.000000e+00> : vector<400x64xf32>
    %dot_general3A_7 = tpu.matmul %max3A_3, %get3A_6, %dot_general3A {dimension_numbers = #tpu.dot_dimension_numbers<[1], [0], [0], [1], [0, 0, 1, 1], [], []>, transpose_lhs_hint = false} : vector<400x128xf32>, vector<128x64xf32>, vector<400x64xf32> -> vector<400x64xf32>
    %get3A_8 = arith.constant 0 : index
    %get3A_9 = arith.constant 0 : index
    %get3A_10 = vector.load %arg4[%get3A_8, %get3A_9] : memref<1x64xf32, #tpu.memory_space<vmem>>, vector<1x64xf32>
    %add3A = vector.broadcast %get3A_10 : vector<1x64xf32> to vector<400x64xf32>
    %add3A_11 = arith.addf %dot_general3A_7, %add3A : vector<400x64xf32>
    %get3A_12 = arith.constant 0 : index
    %get3A_13 = arith.constant 0 : index
    %get3A_14 = arith.constant 0 : index
    %get3A_15 = vector.load %arg2[%get3A_12, %get3A_13, %get3A_14] : memref<2x400x64xf32, #tpu.memory_space<vmem>>, vector<1x400x64xf32>
    %get3A_16 = vector.shape_cast %get3A_15 : vector<1x400x64xf32> to vector<400x64xf32>
    %add3A_17 = arith.addf %add3A_11, %get3A_16 : vector<400x64xf32>
    %get3A_18 = arith.constant 1 : index
    %get3A_19 = arith.constant 0 : index
    %get3A_20 = arith.constant 0 : index
    %get3A_21 = vector.load %arg2[%get3A_18, %get3A_19, %get3A_20] : memref<2x400x64xf32, #tpu.memory_space<vmem>>, vector<1x400x64xf32>
    %get3A_22 = vector.shape_cast %get3A_21 : vector<1x400x64xf32> to vector<400x64xf32>
    %add3A_23 = arith.addf %add3A_17, %get3A_22 : vector<400x64xf32>
    %max3A_24 = arith.constant 0.000000e+00 : f32
    %max3A_25 = vector.broadcast %max3A_24 : f32 to vector<400x64xf32>
    %max3A_26 = arith.maximumf %add3A_23, %max3A_25 : vector<400x64xf32>
    %get3A_27 = arith.constant 0 : index
    %get3A_28 = arith.constant 0 : index
    %get3A_29 = vector.load %arg5[%get3A_27, %get3A_28] : memref<64x64xf32, #tpu.memory_space<vmem>>, vector<64x64xf32>
    %dot_general3A_30 = arith.constant dense<0.000000e+00> : vector<400x64xf32>
    %dot_general3A_31 = tpu.matmul %max3A_26, %get3A_29, %dot_general3A_30 {dimension_numbers = #tpu.dot_dimension_numbers<[1], [0], [0], [1], [0, 0, 1, 1], [], []>, transpose_lhs_hint = false} : vector<400x64xf32>, vector<64x64xf32>, vector<400x64xf32> -> vector<400x64xf32>
    %get3A_32 = arith.constant 0 : index
    %get3A_33 = arith.constant 0 : index
    %get3A_34 = vector.load %arg6[%get3A_32, %get3A_33] : memref<1x64xf32, #tpu.memory_space<vmem>>, vector<1x64xf32>
    %add3A_35 = vector.broadcast %get3A_34 : vector<1x64xf32> to vector<400x64xf32>
    %add3A_36 = arith.addf %dot_general3A_31, %add3A_35 : vector<400x64xf32>
    %max3A_37 = arith.constant 0.000000e+00 : f32
    %max3A_38 = vector.broadcast %max3A_37 : f32 to vector<400x64xf32>
    %max3A_39 = arith.maximumf %add3A_36, %max3A_38 : vector<400x64xf32>
    %get3A_40 = arith.constant 0 : index
    %get3A_41 = arith.constant 0 : index
    %get3A_42 = vector.load %arg7[%get3A_40, %get3A_41] : memref<64x128xf32, #tpu.memory_space<vmem>>, vector<64x128xf32>
    %dot_general3A_43 = arith.constant dense<0.000000e+00> : vector<400x128xf32>
    %dot_general3A_44 = tpu.matmul %max3A_39, %get3A_42, %dot_general3A_43 {dimension_numbers = #tpu.dot_dimension_numbers<[1], [0], [0], [1], [0, 0, 1, 1], [], []>, transpose_lhs_hint = false} : vector<400x64xf32>, vector<64x128xf32>, vector<400x128xf32> -> vector<400x128xf32>
    %get3A_45 = arith.constant 0 : index
    %get3A_46 = arith.constant 0 : index
    %get3A_47 = vector.load %arg8[%get3A_45, %get3A_46] : memref<1x128xf32, #tpu.memory_space<vmem>>, vector<1x128xf32>
    %add3A_48 = vector.broadcast %get3A_47 : vector<1x128xf32> to vector<400x128xf32>
    %add3A_49 = arith.addf %dot_general3A_44, %add3A_48 : vector<400x128xf32>
    %get3A_50 = arith.constant 0 : index
    %get3A_51 = arith.constant 0 : index
    %get3A_52 = vector.load %arg9[%get3A_50, %get3A_51] : memref<400x1xf32, #tpu.memory_space<vmem>>, vector<400x1xf32>
    %eq3A = arith.constant 0.000000e+00 : f32
    %eq3A_53 = vector.broadcast %eq3A : f32 to vector<400x1xf32>
    %eq3A_54 = arith.cmpf oeq, %get3A_52, %eq3A_53 : vector<400x1xf32>
    %eq3A_55 = arith.constant 1.000000e+00 : f32
    %eq3A_56 = vector.broadcast %eq3A_55 : f32 to vector<400x1xf32>
    %eq3A_57 = arith.cmpf oeq, %get3A_52, %eq3A_56 : vector<400x1xf32>
    %or3A = arith.ori %eq3A_54, %eq3A_57 : vector<400x1xi1>
    %convert_element_type3A = arith.extui %or3A : vector<400x1xi1> to vector<400x1xi32>
    %convert_element_type3A_58 = arith.sitofp %convert_element_type3A : vector<400x1xi32> to vector<400x1xf32>
    %mul3A = vector.broadcast %convert_element_type3A_58 : vector<400x1xf32> to vector<400x128xf32>
    %mul3A_59 = arith.mulf %add3A_49, %mul3A : vector<400x128xf32>
    %swap3A = arith.constant 0 : index
    %swap3A_60 = arith.constant 0 : index
    %swap3A_61 = vector.load %arg10[%swap3A, %swap3A_60] : memref<400x128xf32, #tpu.memory_space<vmem>>, vector<400x128xf32>
    tpu.vector_store %arg10[%swap3A, %swap3A_60], %mul3A_59 {strides = array<i32>} : memref<400x128xf32, #tpu.memory_space<vmem>>, vector<400x128xf32>,
    return
  }
  func.func @transform_0(%arg0: i32) -> (i32, i32) {
    %c0_i32 = arith.constant 0 : i32
    %c0_i32_0 = arith.constant 0 : i32
    return %arg0, %c0_i32 : i32, i32
  }
  func.func @transform_1(%arg0: i32) -> (i32, i32, i32) {
    %c0_i32 = arith.constant 0 : i32
    %c0_i32_0 = arith.constant 0 : i32
    %c0_i32_1 = arith.constant 0 : i32
    return %c0_i32, %arg0, %c0_i32_0 : i32, i32, i32
  }
  func.func @transform_2(%arg0: i32) -> (i32, i32) {
    %c0_i32 = arith.constant 0 : i32
    %c0_i32_0 = arith.constant 0 : i32
    %c0_i32_1 = arith.constant 0 : i32
    return %c0_i32, %c0_i32_0 : i32, i32
  }
  func.func @transform_3(%arg0: i32) -> (i32, i32) {
    %c0_i32 = arith.constant 0 : i32
    %c0_i32_0 = arith.constant 0 : i32
    %c0_i32_1 = arith.constant 0 : i32
    return %c0_i32, %c0_i32_0 : i32, i32
  }
  func.func @transform_4(%arg0: i32) -> (i32, i32) {
    %c0_i32 = arith.constant 0 : i32
    %c0_i32_0 = arith.constant 0 : i32
    %c0_i32_1 = arith.constant 0 : i32
    return %c0_i32, %c0_i32_0 : i32, i32
  }
  func.func @transform_5(%arg0: i32) -> (i32, i32) {
    %c0_i32 = arith.constant 0 : i32
    %c0_i32_0 = arith.constant 0 : i32
    %c0_i32_1 = arith.constant 0 : i32
    return %c0_i32, %c0_i32_0 : i32, i32
  }
  func.func @transform_6(%arg0: i32) -> (i32, i32) {
    %c0_i32 = arith.constant 0 : i32
    %c0_i32_0 = arith.constant 0 : i32
    %c0_i32_1 = arith.constant 0 : i32
    return %c0_i32, %c0_i32_0 : i32, i32
  }
  func.func @transform_7(%arg0: i32) -> (i32, i32) {
    %c0_i32 = arith.constant 0 : i32
    %c0_i32_0 = arith.constant 0 : i32
    %c0_i32_1 = arith.constant 0 : i32
    return %c0_i32, %c0_i32_0 : i32, i32
  }
  func.func @transform_8(%arg0: i32) -> (i32, i32) {
    %c0_i32 = arith.constant 0 : i32
    %c0_i32_0 = arith.constant 0 : i32
    return %arg0, %c0_i32 : i32, i32
  }
  func.func @transform_9(%arg0: i32) -> (i32, i32) {
    %c0_i32 = arith.constant 0 : i32
    %c0_i32_0 = arith.constant 0 : i32
    return %arg0, %c0_i32 : i32, i32
  }
}

</mosaic_0001>

<sc_bundles>
// kernel: kernel.6.cloned.1.call-start
scs
__scs_entry_jumppad:
0x0: {  	(pc) =	sbr.rel $0x88, $3  }
0x1: {  	(tag) =	ssettag $0x0;
	lr =	simm.s32 $0x1  }
0x2: {  	[smem:$0x3F85] =	sst lr;
	_ =	strace $0xD0000000  }
0x3: {  	_ = 	snop  }
0x4: {  	_ = 	snop  }
0x5: {  	_ = 	snop  }
0x6: {  	_ = 	snop  }
0x7: {  	_ = 	snop  }
__scs_overlays_trampoline_lowered:
0x8: {  	[smem:$0x3F94] =	sst s0  }
0x9: {  	[smem:$0x3F95] =	sst s1  }
0xa: {  	[smem:$0x3F96] =	sst s2  }
0xb: {  	[smem:$0x3F97] =	sst s3  }
0xc: {  	[smem:$0x3F98] =	sst s4  }
0xd: {  	[smem:$0x3F99] =	sst s5  }
0xe: {  	[smem:$0x3F9A] =	sst s6  }
0xf: {  	[smem:$0x3F9B] =	sst s7  }
0x10: {  	[smem:$0x3F9C] =	sst s8  }
0x11: {  	[smem:$0x3F9D] =	sst s9;
	s0 =	simm.s32 @!p0 $0x0  }
0x12: {  	s1 =	sld [smem:$0x3F83];
	s0 =	simm.s32 @p0 $0x1  }
0x13: {  	[smem:$0x3F9E] =	sst s0;
	s0 =	simm.s32 @!p1 $0x0  }
0x14: {  	s2 =	sld [smem:$0x3F82];
	s0 =	simm.s32 @p1 $0x1  }
0x15: {  	[smem:$0x3F9F] =	sst s0;
	s0 =	simm.s32 @!p2 $0x0  }
0x16: {  	s3 =	sld [smem:$0x3FDB];
	s0 =	simm.s32 @p2 $0x1  }
0x17: {  	s4 =	simm.s32 $0x1BF5;
	[smem:$0x3FA1] =	sst s0  }
0x18: {  	s0 =	sld [smem:$0x3F84];
	_ =	swait.ge [sflag:s4], $0x0  }
0x19: {  	s7 =	sld [smem:$0x3F85]  }
0x1a: {  	s8 =	sadd.s32 $0xFFFFE003, lr  }
0x1b: {  	s9 =	sadd.s32 $0xFFFFFEF7, lr;
	s5 =	simm.s32 $0xFFFFFFFF;
	p2 =	slt.u32 s8, $0xFFFFF086  }
0x1c: {  	p1 =	slt.u32 s9, $0xF7A;
	s5 =	simm.s32 @!p2 $0x0  }
0x1d: {  	s5 =	simm.s32 @p1 $0x1;
	p0 =	seq.s32 s7, s2  }
0x1e: {  	s7 =	smul.u32 @!p0 $0xF7A, s2;
	p2 =	seq.s32 @!p0 s5, $0x0  }
0x1f: {  	s9 =	smul.u32 $0xF7A, s1;
	s8 =	simm.s32 @!p0 $0x1BF5;
	p2 =	por !p2, p0  }
0x20: {  	[sflag:s8] =	ssyncset.s32 @!p0 $0xFFFFF086;
	s6 =	sadd.s32 @!p0 s3, s7;
	s7 =	simm.s32 @!p0 $0x108  }
0x21: {  	s3 =	sadd.s32 s3, s9;
	s6 =	sadd.s32 @!p0 $0x88, s6;
	s7 =	simm.s32 @p2 $0x1082  }
0x22: {  	[simem:s7], [sflag:s8] =	dma.local @!p0 [hbm:s6], $0xF7A  }
0x23: {  	s9 =	sor.u32 $0xD0000000, s2;
	s6 =	simm.s32 $0x108;
	_ =	swait.ge @!p0 [sflag:s8], $0x0  }
0x24: {  	s3 =	sadd.s32 $0x88, s3;
	s6 =	simm.s32 @!p1 $0x1082;
	[sflag:s4] =	ssyncset.s32 $0xFFFFF086  }
0x25: {  	[simem:s6], [sflag:s4] =	dma.local [hbm:s3], $0xF7A  }
0x26: {  	[smem:$0x3F85] =	sst s1;
	(tag) =	ssettag s2;
	_ =	strace s9  }
0x27: {  	s1 =	sld [smem:$0x3F95]  }
0x28: {  	s2 =	sld [smem:$0x3F96]  }
0x29: {  	s4 =	sld [smem:$0x3F98]  }
0x2a: {  	p0 =	seq.s32 s5, $0x0;
	s5 =	sld [smem:$0x3F99]  }
0x2b: {  	s6 =	sld [smem:$0x3F9A]  }
0x2c: {  	s7 =	sld [smem:$0x3F9B]  }
0x2d: {  	s3 =	simm.s32 $0x108;
	s8 =	sld [smem:$0x3F9C]  }
0x2e: {  	s3 =	simm.s32 @!p0 $0x1082;
	s9 =	sld [smem:$0x3F9D]  }
0x2f: {  	lr =	sadd.s32 s0, s3;
	s0 =	sld [smem:$0x3F94]  }
0x30: {  	s3 =	sld [smem:$0x3F97]  }
0x31: {  	[smem:$0x3FA0] =	sst s10  }
0x32: {  	s10 =	sld [smem:$0x3F9E];
	_ =	sdelay $0x3  }
0x33: {  	p0 =	seq.s32 s10, $0x1;
	s10 =	sld [smem:$0x3FA0];
	_ =	sdelay $0x3  }
0x34: {  	[smem:$0x3FA0] =	sst s10  }
0x35: {  	s10 =	sld [smem:$0x3F9F];
	_ =	sdelay $0x3  }
0x36: {  	p1 =	seq.s32 s10, $0x1;
	s10 =	sld [smem:$0x3FA0];
	_ =	sdelay $0x3  }
0x37: {  	[smem:$0x3FA0] =	sst s10  }
0x38: {  	s10 =	sld [smem:$0x3FA1]  }
0x39: {  	_ = 	snop;
	(pc) =	sbr.ind lr, $3  }
0x3a: {  	_ = 	snop  }
0x3b: {  	_ = 	snop  }
0x3c: {  	p2 =	seq.s32 s10, $0x1;
	s10 =	sld [smem:$0x3FA0]  }
0x3d: {  	_ =	shalt  }
0x3e: {  	_ =	shalt  }
0x3f: {  	_ =	shalt  }
0x40: {  	_ =	shalt  }
0x41: {  	_ =	shalt  }
0x42: {  	_ =	shalt  }
0x43: {  	_ =	shalt  }
0x44: {  	_ =	shalt  }
0x45: {  	_ =	shalt  }
0x46: {  	_ =	shalt  }
0x47: {  	_ =	shalt  }
0x48: {  	_ =	shalt  }
0x49: {  	_ =	shalt  }
0x4a: {  	_ =	shalt  }
0x4b: {  	_ =	shalt  }
0x4c: {  	_ =	shalt  }
0x4d: {  	_ =	shalt  }
0x4e: {  	_ =	shalt  }
0x4f: {  	_ =	shalt  }
0x50: {  	_ =	shalt  }
0x51: {  	_ =	shalt  }
0x52: {  	_ =	shalt  }
0x53: {  	_ =	shalt  }
0x54: {  	_ =	shalt  }
0x55: {  	_ =	shalt  }
0x56: {  	_ =	shalt  }
0x57: {  	_ =	shalt  }
0x58: {  	_ =	shalt  }
0x59: {  	_ =	shalt  }
0x5a: {  	_ =	shalt  }
0x5b: {  	_ =	shalt  }
0x5c: {  	_ =	shalt  }
0x5d: {  	_ =	shalt  }
0x5e: {  	_ =	shalt  }
0x5f: {  	_ =	shalt  }
0x60: {  	_ =	shalt  }
0x61: {  	_ =	shalt  }
0x62: {  	_ =	shalt  }
0x63: {  	_ =	shalt  }
0x64: {  	_ =	shalt  }
0x65: {  	_ =	shalt  }
0x66: {  	_ =	shalt  }
0x67: {  	_ =	shalt  }
0x68: {  	_ =	shalt  }
0x69: {  	_ =	shalt  }
0x6a: {  	_ =	shalt  }
0x6b: {  	_ =	shalt  }
0x6c: {  	_ =	shalt  }
0x6d: {  	_ =	shalt  }
0x6e: {  	_ =	shalt  }
0x6f: {  	_ =	shalt  }
0x70: {  	_ =	shalt  }
0x71: {  	_ =	shalt  }
0x72: {  	_ =	shalt  }
0x73: {  	_ =	shalt  }
0x74: {  	_ =	shalt  }
0x75: {  	_ =	shalt  }
0x76: {  	_ =	shalt  }
0x77: {  	_ =	shalt  }
0x78: {  	_ =	shalt  }
0x79: {  	_ =	shalt  }
0x7a: {  	_ =	shalt  }
0x7b: {  	_ =	shalt  }
0x7c: {  	_ =	shalt  }
0x7d: {  	_ =	shalt  }
0x7e: {  	_ =	shalt  }
0x7f: {  	_ =	shalt  }
0x80: {  	_ =	shalt  }
0x81: {  	_ =	shalt  }
0x82: {  	_ =	shalt  }
0x83: {  	_ =	shalt  }
0x84: {  	_ =	shalt  }
0x85: {  	_ =	shalt  }
0x86: {  	_ =	shalt  }
0x87: {  	_ =	shalt  }
.Lfunc_end0:
.L_simem_size_0:
called_computation_lowered:
.L_overlay_start_0:
0x88: {  	s2 =	sld [smem:$0x3FD9]  }
0x89: {  	s3 =	sld [smem:$0x3FFE];
	_ =	sdelay $0x1  }
0x8a: {  	s1 =	srdreg.scid  }
0x8b: {  	s0 =	sand.u32 $0x1, s1  }
0x8c: {  	s17 =	sshll.u32 s0, $0xA;
	s2 =	sadd.s32 s3, s2  }
0x8d: {  	s2 =	sadd.s32 s2, s17  }
0x8e: {  	[smem:$0x3FAC] =	sst s2  }
0x8f: {  	_ = 	snop  }
0x90: {  	s2 =	sld [smem:$0x3FD0];
	(tm) =	ssettm $0x1  }
0x91: {  	s18 =	sld [smem:$0x3FFB];
	_ =	sdelay $0x3  }
0x92: {  	_ =	strace s18  }
0x93: {  	s3 =	sld [smem:$0x3FFC];
	_ =	sdelay $0x3  }
0x94: {  	_ =	strace s3  }
0x95: {  	s3 =	sld [smem:$0x3FFD];
	_ =	sdelay $0x3  }
0x96: {  	_ =	strace s3  }
0x97: {  	_ =	strace $0x8FFFFFFF  }
0x98: {  	s19 =	sld [smem:$0x3FDB];
	_ =	sdelay $0x1  }
0x99: {  	s4 =	simm.s32 $_scs_section_size  }
0x9a: {  	s5 =	simm.s32 $_size__tile_overlayer_lowered;
	s6 =	simm.s32 $_tile_overlayer_lowered  }
0x9b: {  	s22 =	simm.s32 $0x1BFF;
	s21 =	sshll.u32 s6, $0x1;
	s3 =	sadd.s32 s4, s19  }
0x9c: {  	s7 =	simm.s32 $0x0;
	s20 =	sshll.u32 s5, $0x1;
	s5 =	sadd.s32 s21, s3  }
0x9d: {  	[timem:s7], [sflag:s22] =	dma.local [hbm:s5], s20  }
0x9e: {  	_ =	swait.ge [sflag:s22], s20  }
0x9f: {  	s4 =	ssub.s32 $0x0, s20;
	[sflag:s22] =	ssyncset.done $0x0  }
0xa0: {  	[sflag:s22] =	ssyncadd.s32 s4;
	_ =	sdelay $0x1  }
0xa1: {  	s23 =	simm.s32 $0x1B8B  }
0xa2: {  	_ =	swait.ge [sflag:s23], $0x1  }
0xa3: {  	[sflag:s23] =	ssyncset.done $0x0  }
0xa4: {  	s25 =	simm.s32 $0x1B8E;
	s24 =	sld [smem:$0x3FFE];
	[sflag:s23] =	ssyncadd.s32 $0xFFFFFFFF  }
0xa5: {  	s26 =	simm.s32 $execute0_lowered;
	[smem:$0x3FD2] =	sst s25  }
0xa6: {  	s5 =	sshll.u32 s26, $0x1;
	_ =	strace $0x80000046;
	[dreg:$0x1] =	wrdreg $0xFFFFFFFF  }
0xa7: {  	s28 =	simm.s32 $_size_execute0_lowered;
	s3 =	sadd.s32 s3, s5;
	[dreg:$0x0] =	wrdreg $0x0  }
0xa8: {  	s5 =	sshll.u32 s28, $0x1;
	[dreg:$0x2] =	wrdreg s3  }
0xa9: {  	[dreg:$0x3] =	wrdreg s5  }
0xaa: {  	[dreg:$0x4] =	wrdreg $0xC0  }
0xab: {  	_ =	task [dreg:s7], $0x5FFFF  }
0xac: {  	[dreg:$0x1] =	wrdreg $0xFFFFFFFF  }
0xad: {  	[dreg:$0x0] =	wrdreg $0x60  }
0xae: {  	[dreg:$0x2] =	wrdreg s24  }
0xaf: {  	[dreg:$0x3] =	wrdreg s2  }
0xb0: {  	[dreg:$0x4] =	wrdreg $0x150000  }
0xb1: {  	[dreg:$0x5] =	wrdreg $0x9  }
0xb2: {  	_ =	task.clear_ibuf [dreg:s7], $0x6FFFF;
	_ =	strace $0x90000046  }
0xb3: {  	s29 =	simm.s32 $0x9;
	_ =	strace $0x80000048  }
0xb4: {  	_ =	swait.ge [sflag:s29], $0x1  }
0xb5: {  	[sflag:s29] =	ssyncadd.s32 $0xFFFFFFFF  }
0xb6: {  	_ =	strace $0x90000048  }
0xb7: {  	_ =	sfence  }
0xb8: {  	s30 =	sld [smem:$0x0];
	_ =	sdelay $0x2  }
0xb9: {  	s31 =	sshll.u32 s1, $0xD;
	s1 =	sshrl.u32 s1, $0x2  }
0xba: {  	s3 =	sand.u32 $0x4000, s31;
	s1 =	sadd.s32 s1, s30  }
0xbb: {  	s0 =	sor.u32 s3, s0;
	s1 =	sshll.u32 s1, $0x11  }
0xbc: {  	s0 =	sor.u32 s1, s0  }
0xbd: {  	s0 =	sadd.s32 $0x8F2B, s0  }
0xbe: {  	[sflag:s0] =	ssyncadd.remote.s32 $0x1  }
0xbf: {  	_ =	sfence.sel $0xFFFF  }
0xc0: {  	[dreg:$0x0] =	wrdreg $0xFFFFFFFF;
	(pc) =	sbr.abs _section_cstart, $3  }
0xc1: {  	[dreg:$0x1] =	wrdreg $0xFFFFFFFF  }
0xc2: {  	_ =	task.clear_ibuf [dreg:s7], $0x2FFFF;
	_ =	strace $0x9FFFFFFF  }
0xc3: {  	(tm) =	ssettm $0x7FFFFFFF  }
tec
execute0_lowered:
.L_overlay_start_1:
0x0: {  	(tag) =	ssettag $0x1  }
0x1: {  	s0 =	rddreg [dreg:$0x0]  }
0x2: {  	s1 =	rddreg [dreg:$0x1];
	s3 =	srdreg.scid  }
0x3: {  	s2 =	rddreg [dreg:$0x2];
	s12 =	stileid.u32;
	s14 =	simm.s32 $0x9  }
0x4: {  	s16 =	simm.s32 $0x80;
	s17 =	simm.s32 $0x5000;
	s20 =	simm.s32 $0x9000  }
0x5: {  	s24 =	simm.s32 $0xD000;
	s30 =	simm.s32 $0x11000;
	s15 =	simm.s32 $0x3  }
0x6: {  	s18 =	simm.s32 $0x5;
	s19 =	simm.s32 $0x7;
	s6 =	smul.u32 $0x2800, s12  }
0x7: {  	s21 =	simm.s32 $0x8;
	s22 =	simm.s32 $0x0;
	s7 =	smul.u32 $0x27800, s12  }
0x8: {  	s5 =	sand.u32 $0x1, s3;
	s3 =	simm.s32 $0x0;
	s10 =	smul.u32 $0x9E00, s12  }
0x9: {  	s11 =	sadd.s32 $0x94200, s2;
	p0 =	seq.s32 s12, $0xF;
	s4 =	smul.u32 $0x28000, s5  }
0xa: {  	[smem:$0x7FF] =	sst s3;
	s8 =	smul.u32 $0x9C400, s5;
	s9 =	ssub.s32 $0x2, s5  }
0xb: {  	s5 =	sadd.s32 $0x51000, s0;
	s11 =	sshrl.u32 @p0 s11, $0x3;
	_ =	strace $0x80000047  }
0xc: {  	s26 =	sshrl.u32 s9, $0x1;
	s7 =	sshrl.u32 s7, $0x2;
	s6 =	sadd.s32 s6, s4  }
0xd: {  	s4 =	sadd.s32 $0x2600, s0;
	s7 =	sadd.s32 s7, s2;
	s6 =	sshrl.u32 s6, $0x3  }
0xe: {  	s28 =	sadd.s32 s10, s8;
	s31 =	sshrl.u32 s8, $0x3;
	s6 =	sadd.s32 s6, s0  }
0xf: {  	s8 =	sadd.s32 s10, s2;
	s0 =	ssub.s32 s9, s26;
	s13 =	sadd.s32 $0x3D000, s6  }
0x10: {  	s9 =	sshrl.u32 s28, $0x3;
	s6 =	sadd.s32 $0x47000, s6;
	[dreg:$0x4] =	wrdreg s13  }
.Ltmp0:
0x11: {  	s29 =	sadd.s32 s1, s9;
	[dreg:$0x5] =	wrdreg s6;
	(pc) =	sbr.rel .LBB2_1-.Ltmp0, $4  }
0x12: {  	s1 =	sadd.s32 s1, s31;
	s0 =	smax.u32 s0, $0x1;
	[dreg:$0x6] =	wrdreg s29  }
0x13: {  	s25 =	sshrl.u32 @!p0 s8, $0x3;
	s1 =	sadd.s32 $0x12840, s1;
	[dreg:$0x8] =	wrdreg s0  }
0x14: {  	s0 =	sshll.u32 @!p0 s12, $0x6;
	s13 =	sshrl.u32 @!p0 s7, $0x3;
	[dreg:$0x7] =	wrdreg s1  }
0x15: {  	s12 =	sor.u32 @!p0 $0x1C09, s0;
	s0 =	simm.s32 $0x13000;
	s1 =	simm.s32 $0x1  }
.LBB2_4:
0x16: {  	_ =	swait.ge [sflag:s21], $0x2000  }
0x17: {  	[sflag:s21] =	ssyncset.done $0x0  }
0x18: {  	[sflag:s21] =	ssyncadd.s32 $0xFFFFE000  }
0x19: {  	[spmem:s2] =	stream.indirect.scatter.add.f32 [tilespmem:s0], [sflag:$0x9], $0x40, s6, s16, $0xb8;
	[tilespmem:$0x1EFE0] =	vst v63  }
0x1a: {  	_ =	swait.ge [sflag:s14], $0x2000  }
0x1b: {  	[sflag:s14] =	ssyncset.done $0x0  }
0x1c: {  	[sflag:s14] =	ssyncadd.s32 $0xFFFFE000  }
0x1d: {  	[bflag:$0x0] =	sbarrier.arrive $0xFFFF  }
0x1e: {  	s6 =	simm.s32 @p0 $0x1FC9;
	s7 =	rddreg [dreg:$0x7]  }
0x1f: {  	[hbm:s7], [sflag:s6] =	dma.local @p0 [spmem:s11], $0x1040  }
0x20: {  	s6 =	simm.s32 @p0 $0x9  }
0x21: {  	_ =	swait.ge @p0 [sflag:s6], $0x1040  }
0x22: {  	[sflag:s6] =	ssyncset.done @p0 $0x0  }
0x23: {  	[sflag:s6] =	ssyncadd.s32 @p0 $0xFFFFEFC0;
	s6 =	rddreg [dreg:$0x6]  }
0x24: {  	[hbm:s6], [sflag:s12] =	dma.local @!p0 [spmem:s25], $0x13C0  }
0x25: {  	s6 =	simm.s32 @!p0 $0x9  }
0x26: {  	_ =	swait.ge @!p0 [sflag:s6], $0x13C0  }
0x27: {  	s22 =	sadd.s32 $0x1, s22;
	s31 =	rddreg [dreg:$0x8]  }
0x28: {  	p1 =	sne.s32 s22, s31  }
.Ltmp1:
0x29: {  	_ = 	snop;
	(pc) =	sbr.rel @!p1 .LBB2_5-.Ltmp1, $3  }
0x2a: {  	_ =	sdelay $0x1  }
0x2b: {  	[sflag:s6] =	ssyncset.done @!p0 $0x0  }
0x2c: {  	[sflag:s6] =	ssyncadd.s32 @!p0 $0xFFFFEC40  }
.LBB2_1:
0x2d: {  	s6 =	simm.s32 @p0 $0x1FC9  }
0x2e: {  	[spmem:s11], [sflag:s6] =	dma.local @p0 [hbm:s5], $0x1080  }
0x2f: {  	s6 =	simm.s32 @p0 $0x9  }
0x30: {  	_ =	swait.ge @p0 [sflag:s6], $0x1080  }
0x31: {  	[sflag:s6] =	ssyncset.done @p0 $0x0  }
0x32: {  	[sflag:s6] =	ssyncadd.s32 @p0 $0xFFFFEF80;
	s6 =	simm.s32 @!p0 $0x9  }
0x33: {  	[spmem:s13], [sflag:s12] =	dma.local @!p0 [hbm:s5], $0x13C0  }
0x34: {  	_ =	swait.ge @!p0 [sflag:s6], $0x13C0  }
0x35: {  	[sflag:s6] =	ssyncset.done @!p0 $0x0  }
0x36: {  	s29 =	rddreg [dreg:$0x4];
	[sflag:s6] =	ssyncadd.s32 @!p0 $0xFFFFEC40  }
0x37: {  	[tilespmem:s3], [sflag:$0x9] =	stream.linear.gather [hbm4b:s29+s3], $0x2800, $0x38;
	[tilespmem:$0x1EFE0] =	vst v63  }
0x38: {  	_ =	swait.ge [sflag:s14], $0x2800  }
0x39: {  	[sflag:s14] =	ssyncset.done $0x0  }
0x3a: {  	s7 =	simm.s32 $0x2800;
	s31 =	rddreg [dreg:$0x5];
	[sflag:s14] =	ssyncadd.s32 $0xFFFFD800  }
0x3b: {  	[tilespmem:s7], [sflag:$0x9] =	stream.linear.gather [hbm4b:s31+s3], $0x2800, $0x38;
	[tilespmem:$0x1EFE0] =	vst v63  }
0x3c: {  	_ =	swait.ge [sflag:s14], $0x2800  }
0x3d: {  	[sflag:s14] =	ssyncset.done $0x0  }
0x3e: {  	[sflag:s14] =	ssyncadd.s32 $0xFFFFD800  }
0x3f: {  	[bflag:$0x0] =	sbarrier.arrive $0xFFFF  }
0x40: {  	[tilespmem:s17], [sflag:$0x1] =	stream.indirect.gather [hbm4b:s4+s16], $0x40, s3, s16, $0xb8;
	[tilespmem:$0x1EFE0] =	vst v63  }
0x41: {  	s7 =	simm.s32 $0x7000  }
0x42: {  	[tilespmem:s7], [sflag:$0x2] =	stream.indirect.gather [hbm4b:s4+s16], $0x40, s16, s16, $0xb8;
	[tilespmem:$0x1EFE0] =	vst v63  }
0x43: {  	s8 =	simm.s32 $0x100  }
0x44: {  	[tilespmem:s20], [sflag:$0x3] =	stream.indirect.gather [hbm4b:s4+s16], $0x40, s8, s16, $0xb8;
	[tilespmem:$0x1EFE0] =	vst v63  }
0x45: {  	s9 =	simm.s32 $0x180;
	s10 =	simm.s32 $0xB000  }
0x46: {  	[tilespmem:s10], [sflag:$0x4] =	stream.indirect.gather [hbm4b:s4+s16], $0x40, s9, s16, $0xb8;
	[tilespmem:$0x1EFE0] =	vst v63  }
0x47: {  	s23 =	simm.s32 $0x200  }
0x48: {  	[tilespmem:s24], [sflag:$0x5] =	stream.indirect.gather [hbm4b:s4+s16], $0x40, s23, s16, $0xb8;
	[tilespmem:$0x1EFE0] =	vst v63  }
0x49: {  	s26 =	simm.s32 $0x280;
	s28 =	simm.s32 $0xF000  }
0x4a: {  	[tilespmem:s28], [sflag:$0x6] =	stream.indirect.gather [hbm4b:s4+s16], $0x40, s26, s16, $0xb8;
	[tilespmem:$0x1EFE0] =	vst v63  }
0x4b: {  	s29 =	simm.s32 $0x300  }
0x4c: {  	[tilespmem:s30], [sflag:$0x7] =	stream.indirect.gather [hbm4b:s4+s16], $0x40, s29, s16, $0xb8;
	[tilespmem:$0x1EFE0] =	vst v63  }
0x4d: {  	s31 =	simm.s32 $0x380;
	s23 =	simm.s32 $0x0  }
0x4e: {  	[tilespmem:s0], [sflag:$0x8] =	stream.indirect.gather [hbm4b:s4+s16], $0x40, s31, s16, $0xb8;
	[tilespmem:$0x1EFE0] =	vst v63  }
.LBB2_2:
0x4f: {  	_ =	swait.ge [sflag:s1], $0x2000  }
0x50: {  	s26 =	sshra.s32 s23, $0x2;
	[sflag:s1] =	ssyncset.done $0x0  }
0x51: {  	s6 =	sadd.s32 $0x2800, s26;
	[sflag:s1] =	ssyncadd.s32 $0xFFFFE000  }
0x52: {  	[spmem:s2] =	stream.indirect.scatter.add.f32 [tilespmem:s17], [sflag:$0x9], $0x40, s6, s16, $0xb8;
	[tilespmem:$0x1EFE0] =	vst v63  }
0x53: {  	_ =	swait.ge [sflag:s14], $0x2000  }
0x54: {  	p1 =	seq.s32 s23, $0x9000;
	[sflag:s14] =	ssyncset.done $0x0  }
0x55: {  	s6 =	simm.s32 @p1 $0x2;
	[sflag:s14] =	ssyncadd.s32 $0xFFFFE000  }
0x56: {  	_ =	swait.ge @p1 [sflag:s6], $0x2000  }
0x57: {  	s31 =	sshra.s32 @p1 s23, $0x2;
	s8 =	simm.s32 @p1 $0x7000;
	[sflag:s6] =	ssyncset.done @p1 $0x0  }
0x58: {  	s7 =	sadd.s32 @p1 $0x2880, s31;
	[sflag:s6] =	ssyncadd.s32 @p1 $0xFFFFE000;
	s6 =	simm.s32 @p1 $0x80  }
0x59: {  	[spmem:s2] =	stream.indirect.scatter.add.f32 @p1 [tilespmem:s8], [sflag:$0x9], $0x40, s7, s6, $0xb8;
	[tilespmem:$0x1EFE0] =	vst v63  }
0x5a: {  	s7 =	simm.s32 @p1 $0x9  }
0x5b: {  	_ =	swait.ge @p1 [sflag:s7], $0x2000  }
0x5c: {  	s28 =	sshra.s32 @!p1 s23, $0x2;
	s29 =	simm.s32 @!p1 $0x80;
	[sflag:s7] =	ssyncset.done @p1 $0x0  }
0x5d: {  	s9 =	simm.s32 @!p1 $0x5000;
	s8 =	sadd.s32 @!p1 $0x400, s28;
	[sflag:s7] =	ssyncadd.s32 @p1 $0xFFFFE000  }
0x5e: {  	[tilespmem:s9], [sflag:$0x1] =	stream.indirect.gather @!p1 [hbm4b:s4+s29], $0x40, s8, s29, $0xb8;
	[tilespmem:$0x1EFE0] =	vst v63  }
0x5f: {  	s8 =	simm.s32 @!p1 $0x2  }
0x60: {  	_ =	swait.ge @!p1 [sflag:s8], $0x2000  }
0x61: {  	[sflag:s8] =	ssyncset.done @!p1 $0x0  }
0x62: {  	s9 =	simm.s32 @!p1 $0x7000;
	[sflag:s8] =	ssyncadd.s32 @!p1 $0xFFFFE000;
	s8 =	sadd.s32 @!p1 $0x2880, s28  }
0x63: {  	[spmem:s2] =	stream.indirect.scatter.add.f32 @!p1 [tilespmem:s9], [sflag:$0x9], $0x40, s8, s29, $0xb8;
	[tilespmem:$0x1EFE0] =	vst v63  }
0x64: {  	s8 =	simm.s32 @!p1 $0x9  }
0x65: {  	_ =	swait.ge @!p1 [sflag:s8], $0x2000  }
0x66: {  	[sflag:s8] =	ssyncset.done @!p1 $0x0  }
0x67: {  	s10 =	sadd.s32 @!p1 $0x480, s28;
	[sflag:s8] =	ssyncadd.s32 @!p1 $0xFFFFE000  }
0x68: {  	[tilespmem:s9], [sflag:$0x2] =	stream.indirect.gather @!p1 [hbm4b:s4+s29], $0x40, s10, s29, $0xb8;
	[tilespmem:$0x1EFE0] =	vst v63  }
0x69: {  	_ =	swait.ge [sflag:s15], $0x2000  }
0x6a: {  	[sflag:s15] =	ssyncset.done $0x0  }
0x6b: {  	s10 =	sadd.s32 $0x2900, s26;
	[sflag:s15] =	ssyncadd.s32 $0xFFFFE000  }
0x6c: {  	[spmem:s2] =	stream.indirect.scatter.add.f32 [tilespmem:s20], [sflag:$0x9], $0x40, s10, s16, $0xb8;
	[tilespmem:$0x1EFE0] =	vst v63  }
0x6d: {  	_ =	swait.ge [sflag:s14], $0x2000  }
0x6e: {  	[sflag:s14] =	ssyncset.done $0x0  }
0x6f: {  	s9 =	simm.s32 @p1 $0x4;
	[sflag:s14] =	ssyncadd.s32 $0xFFFFE000  }
0x70: {  	_ =	swait.ge @p1 [sflag:s9], $0x2000  }
0x71: {  	[sflag:s9] =	ssyncset.done @p1 $0x0  }
0x72: {  	s10 =	simm.s32 @p1 $0xB000;
	[sflag:s9] =	ssyncadd.s32 @p1 $0xFFFFE000;
	s9 =	sadd.s32 @p1 $0x2980, s31  }
0x73: {  	[spmem:s2] =	stream.indirect.scatter.add.f32 @p1 [tilespmem:s10], [sflag:$0x9], $0x40, s9, s6, $0xb8;
	[tilespmem:$0x1EFE0] =	vst v63  }
0x74: {  	_ =	swait.ge @p1 [sflag:s7], $0x2000  }
0x75: {  	[sflag:s7] =	ssyncset.done @p1 $0x0  }
0x76: {  	s9 =	sadd.s32 @!p1 $0x500, s28;
	s10 =	simm.s32 @!p1 $0x9000;
	[sflag:s7] =	ssyncadd.s32 @p1 $0xFFFFE000  }
0x77: {  	[tilespmem:s10], [sflag:$0x3] =	stream.indirect.gather @!p1 [hbm4b:s4+s29], $0x40, s9, s29, $0xb8;
	[tilespmem:$0x1EFE0] =	vst v63  }
0x78: {  	s9 =	simm.s32 @!p1 $0x4  }
0x79: {  	_ =	swait.ge @!p1 [sflag:s9], $0x2000  }
0x7a: {  	[sflag:s9] =	ssyncset.done @!p1 $0x0  }
0x7b: {  	s10 =	simm.s32 @!p1 $0xB000;
	[sflag:s9] =	ssyncadd.s32 @!p1 $0xFFFFE000;
	s9 =	sadd.s32 @!p1 $0x2980, s28  }
0x7c: {  	[spmem:s2] =	stream.indirect.scatter.add.f32 @!p1 [tilespmem:s10], [sflag:$0x9], $0x40, s9, s29, $0xb8;
	[tilespmem:$0x1EFE0] =	vst v63  }
0x7d: {  	_ =	swait.ge @!p1 [sflag:s8], $0x2000  }
0x7e: {  	[sflag:s8] =	ssyncset.done @!p1 $0x0  }
0x7f: {  	s9 =	sadd.s32 @!p1 $0x580, s28;
	[sflag:s8] =	ssyncadd.s32 @!p1 $0xFFFFE000  }
0x80: {  	[tilespmem:s10], [sflag:$0x4] =	stream.indirect.gather @!p1 [hbm4b:s4+s29], $0x40, s9, s29, $0xb8;
	[tilespmem:$0x1EFE0] =	vst v63  }
0x81: {  	_ =	swait.ge [sflag:s18], $0x2000  }
0x82: {  	[sflag:s18] =	ssyncset.done $0x0  }
0x83: {  	s10 =	sadd.s32 $0x2A00, s26;
	[sflag:s18] =	ssyncadd.s32 $0xFFFFE000  }
0x84: {  	[spmem:s2] =	stream.indirect.scatter.add.f32 [tilespmem:s24], [sflag:$0x9], $0x40, s10, s16, $0xb8;
	[tilespmem:$0x1EFE0] =	vst v63  }
0x85: {  	_ =	swait.ge [sflag:s14], $0x2000  }
0x86: {  	[sflag:s14] =	ssyncset.done $0x0  }
0x87: {  	s9 =	simm.s32 @p1 $0x6;
	[sflag:s14] =	ssyncadd.s32 $0xFFFFE000  }
0x88: {  	_ =	swait.ge @p1 [sflag:s9], $0x2000  }
0x89: {  	[sflag:s9] =	ssyncset.done @p1 $0x0  }
0x8a: {  	s10 =	simm.s32 @p1 $0xF000;
	[sflag:s9] =	ssyncadd.s32 @p1 $0xFFFFE000;
	s9 =	sadd.s32 @p1 $0x2A80, s31  }
0x8b: {  	[spmem:s2] =	stream.indirect.scatter.add.f32 @p1 [tilespmem:s10], [sflag:$0x9], $0x40, s9, s6, $0xb8;
	[tilespmem:$0x1EFE0] =	vst v63  }
0x8c: {  	_ =	swait.ge @p1 [sflag:s7], $0x2000  }
0x8d: {  	[sflag:s7] =	ssyncset.done @p1 $0x0  }
0x8e: {  	s6 =	sadd.s32 @!p1 $0x600, s28;
	[sflag:s7] =	ssyncadd.s32 @p1 $0xFFFFE000;
	s7 =	simm.s32 @!p1 $0xD000  }
0x8f: {  	[tilespmem:s7], [sflag:$0x5] =	stream.indirect.gather @!p1 [hbm4b:s4+s29], $0x40, s6, s29, $0xb8;
	[tilespmem:$0x1EFE0] =	vst v63  }
0x90: {  	s6 =	simm.s32 @!p1 $0x6  }
0x91: {  	_ =	swait.ge @!p1 [sflag:s6], $0x2000  }
0x92: {  	[sflag:s6] =	ssyncset.done @!p1 $0x0  }
0x93: {  	s7 =	simm.s32 @!p1 $0xF000;
	[sflag:s6] =	ssyncadd.s32 @!p1 $0xFFFFE000;
	s6 =	sadd.s32 @!p1 $0x2A80, s28  }
0x94: {  	[spmem:s2] =	stream.indirect.scatter.add.f32 @!p1 [tilespmem:s7], [sflag:$0x9], $0x40, s6, s29, $0xb8;
	[tilespmem:$0x1EFE0] =	vst v63  }
0x95: {  	_ =	swait.ge @!p1 [sflag:s8], $0x2000  }
0x96: {  	[sflag:s8] =	ssyncset.done @!p1 $0x0  }
0x97: {  	s6 =	sadd.s32 @!p1 $0x680, s28;
	[sflag:s8] =	ssyncadd.s32 @!p1 $0xFFFFE000  }
0x98: {  	[tilespmem:s7], [sflag:$0x6] =	stream.indirect.gather @!p1 [hbm4b:s4+s29], $0x40, s6, s29, $0xb8;
	[tilespmem:$0x1EFE0] =	vst v63  }
0x99: {  	_ =	swait.ge [sflag:s19], $0x2000  }
0x9a: {  	[sflag:s19] =	ssyncset.done $0x0  }
.Ltmp2:
0x9b: {  	s31 =	sadd.s32 $0x2B00, s26;
	[sflag:s19] =	ssyncadd.s32 $0xFFFFE000;
	(pc) =	sbr.rel @p1 .LBB2_4-.Ltmp2, $4  }
0x9c: {  	[spmem:s2] =	stream.indirect.scatter.add.f32 [tilespmem:s30], [sflag:$0x9], $0x40, s31, s16, $0xb8;
	[tilespmem:$0x1EFE0] =	vst v63  }
0x9d: {  	_ =	swait.ge [sflag:s14], $0x2000  }
0x9e: {  	[sflag:s14] =	ssyncset.done $0x0  }
0x9f: {  	s6 =	sadd.s32 $0x2B80, s26;
	[sflag:s14] =	ssyncadd.s32 $0xFFFFE000  }
0xa0: {  	s7 =	sadd.s32 $0x700, s26  }
0xa1: {  	[tilespmem:s30], [sflag:$0x7] =	stream.indirect.gather [hbm4b:s4+s16], $0x40, s7, s16, $0xb8;
	[tilespmem:$0x1EFE0] =	vst v63  }
0xa2: {  	_ =	swait.ge [sflag:s21], $0x2000  }
0xa3: {  	[sflag:s21] =	ssyncset.done $0x0  }
0xa4: {  	[sflag:s21] =	ssyncadd.s32 $0xFFFFE000  }
0xa5: {  	[spmem:s2] =	stream.indirect.scatter.add.f32 [tilespmem:s0], [sflag:$0x9], $0x40, s6, s16, $0xb8;
	[tilespmem:$0x1EFE0] =	vst v63  }
.Ltmp3:
0xa6: {  	_ = 	snop;
	(pc) =	sbr.rel .LBB2_2-.Ltmp3, $4  }
0xa7: {  	_ =	swait.ge [sflag:s14], $0x2000  }
0xa8: {  	[sflag:s14] =	ssyncset.done $0x0  }
0xa9: {  	s31 =	sadd.s32 $0x780, s26;
	s23 =	sadd.s32 $0x1000, s23;
	[sflag:s14] =	ssyncadd.s32 $0xFFFFE000  }
0xaa: {  	[tilespmem:s0], [sflag:$0x8] =	stream.indirect.gather [hbm4b:s4+s16], $0x40, s31, s16, $0xb8;
	[tilespmem:$0x1EFE0] =	vst v63  }
.LBB2_5:
0xab: {  	_ =	sfence.sel $0x180000  }
0xac: {  	[bflag:$0x0] =	sbarrier.arrive $0xFFFF  }
0xad: {  	_ =	strace $0x90000047  }
0xae: {  	s0 =	stileid.u32;
	[bflag:$0x2] =	sbarrier.arrive $0xFFFF  }
0xaf: {  	p0 =	sne.s32 s0, $0x0;
	s0 =	rddreg [dreg:$0x3]  }
0xb0: {  	s0 =	sadd.s32 @!p0 $0x100000, s0  }
0xb1: {  	[sflag:s0] =	ssyncadd.tile.s32 @!p0 $0x1;
	_ =	shalt  }
.Lfunc_end2:
_tile_overlayer_lowered:
.L_overlay_start_2:
0xb2: {  	(tag) =	ssettag $0x2  }
0xb3: {  	s0 =	rddreg [dreg:$0x0];
	s2 =	stileid.u32  }
0xb4: {  	s1 =	rddreg [dreg:$0x1];
	p0 =	sne.s32 s2, $0x0  }
0xb5: {  	s3 =	rddreg [dreg:$0x2];
	[bflag:$0x3] =	sbarrier.arrive $0xFFFF;
	s2 =	simm.s32 @!p0 $0x1C09  }
0xb6: {  	[timem:s3], [sflag:s2] =	dma.local @!p0 [hbm:s0], s1  }
0xb7: {  	s0 =	simm.s32 @!p0 $0x9  }
0xb8: {  	_ =	swait.ge @!p0 [sflag:s0], s1  }
0xb9: {  	s1 =	ssub.s32 @!p0 $0x0, s1;
	[sflag:s0] =	ssyncset.done @!p0 $0x0  }
0xba: {  	[sflag:s0] =	ssyncadd.s32 @!p0 s1  }
0xbb: {  	[bflag:$0x3] =	sbarrier.arrive $0xFFFF  }
0xbc: {  	_ =	shalt  }

</sc_bundles>
